<compile_context>
chip_gen: v7x
topology: tpu7x:2x2x1
jax: 0.10.2.dev20260603
libtpu: 0.0.44.dev20260713+nightly
codegen_flags: <defaults>
</compile_context>

<pallas_src>
import functools

import jax
import jax.numpy as jnp
from jax import lax
from jax.experimental import pallas as pl
from jax.experimental.pallas import tpu as pltpu
from jax.experimental.pallas import tpu_sc as plsc

NC = 2
NS = 16
NW = NC * NS
WIN = 128
BR = 512
SCL = 16
ZR = 16


def _sc_mesh():
    return plsc.VectorSubcoreMesh(core_axis_name="c", subcore_axis_name="s")


def _zero_fill(ref, rows, cols):
    @pl.loop(0, rows)
    def _(i):
        @pl.loop(0, cols // SCL)
        def _(j):
            ref.at[pl.ds(i, 1), pl.ds(j * SCL, SCL)][...] = jnp.zeros(
                (1, SCL), jnp.float32)


def _agg_call(u_pad, src_w, dst_w, n_out=None):
    n_pad = u_pad.shape[0] if n_out is None else n_out
    d = u_pad.shape[1]
    num_win = src_w.shape[0]
    wpw = num_win // NW
    tile_rows = n_pad // NS

    @functools.partial(
        pl.kernel,
        out_type=jax.ShapeDtypeStruct((NC, n_pad, d), jnp.float32),
        mesh=_sc_mesh(),
        scratch_types=[
            pltpu.VMEM_SHARED((n_pad, d), jnp.float32),
            pltpu.VMEM((WIN, d), jnp.float32),
            pltpu.VMEM((WIN, d), jnp.float32),
            pltpu.VMEM((ZR, d), jnp.float32),
            pltpu.VMEM((WIN,), jnp.int32),
            pltpu.VMEM((WIN,), jnp.int32),
            pltpu.VMEM((WIN,), jnp.int32),
            pltpu.VMEM((WIN,), jnp.int32),
            pltpu.SemaphoreType.DMA,
            pltpu.SemaphoreType.DMA,
        ],
    )
    def k(u_hbm, src_hbm, dst_hbm, out_hbm, acc, rows_a, rows_b, zb,
          src_a, src_b, dst_a, dst_b, sem_a, sem_b):
        c = lax.axis_index("c")
        s = lax.axis_index("s")
        w = c * NS + s
        base = s * tile_rows

        _zero_fill(zb, ZR, d)

        @pl.loop(0, tile_rows // ZR)
        def _(b):
            pltpu.sync_copy(zb, acc.at[pl.ds(base + b * ZR, ZR)])

        plsc.subcore_barrier()

        @pl.loop(0, wpw, step=2)
        def _(j):
            win = w * wpw + j
            pltpu.sync_copy(src_hbm.at[win], src_a)
            pltpu.sync_copy(dst_hbm.at[win], dst_a)
            ga = pltpu.async_copy(u_hbm.at[src_a], rows_a, sem_a)
            pltpu.sync_copy(src_hbm.at[win + 1], src_b)
            pltpu.sync_copy(dst_hbm.at[win + 1], dst_b)
            gb = pltpu.async_copy(u_hbm.at[src_b], rows_b, sem_b)
            ga.wait()
            pltpu.sync_copy(rows_a, acc.at[dst_a], add=True)
            gb.wait()
            pltpu.sync_copy(rows_b, acc.at[dst_b], add=True)

        plsc.subcore_barrier()
        pltpu.sync_copy(acc.at[pl.ds(base, tile_rows)],
                        out_hbm.at[c].at[pl.ds(base, tile_rows)])

    return k(u_pad, src_w, dst_w)


def _mm_body(x_ref, w_ref, o_ref):
    o_ref[...] = lax.dot_general(
        x_ref[...], w_ref[...], (((1,), (0,)), ((), ())),
        preferred_element_type=jnp.float32, precision=lax.Precision.HIGHEST)


def _finish1_body(h_ref, da_ref, db_ref, u_ref, dinv_ref):
    cnt = da_ref[:, 0:1] + db_ref[:, 0:1]
    dinv = lax.rsqrt(cnt + 1.0)
    dinv_ref[...] = dinv
    u_ref[...] = h_ref[...] * dinv


def _mid_body(aa_ref, ab_ref, u1_ref, dinv_ref, b1_ref, w2_ref, u2_ref):
    dinv = dinv_ref[...]
    z = (aa_ref[...] + ab_ref[...] + u1_ref[...]) * dinv + b1_ref[...]
    z = jnp.maximum(z, 0.0)
    h2 = lax.dot_general(
        z, w2_ref[...], (((1,), (0,)), ((), ())),
        preferred_element_type=jnp.float32, precision=lax.Precision.HIGHEST)
    u2_ref[...] = h2 * dinv


def _out_body(aa_ref, ab_ref, u2_ref, dinv_ref, b2_ref, o_ref):
    o_ref[...] = ((aa_ref[...] + ab_ref[...] + u2_ref[...]) * dinv_ref[...]
                  + b2_ref[...])


def _rows_spec(d):
    return pl.BlockSpec((BR, d), lambda i: (i, 0))


def _full_spec(r, c):
    return pl.BlockSpec((r, c), lambda i: (0, 0))


@jax.jit
def _run(x, edge_index, W1, b1, W2, b2):
    n, d = x.shape
    e = edge_index.shape[1]
    n_pad = ((n + 1 + NS * ZR - 1) // (NS * ZR)) * (NS * ZR)
    egrain = 2 * NW * WIN
    e_pad = ((e + egrain - 1) // egrain) * egrain

    src = edge_index[0].astype(jnp.int32)
    dst = edge_index[1].astype(jnp.int32)
    pad_idx = n + jnp.arange(e_pad - e, dtype=jnp.int32) % (n_pad - n)
    src_w = jnp.concatenate([src, pad_idx]).reshape(-1, WIN)
    dst_w = jnp.concatenate([dst, pad_idx]).reshape(-1, WIN)
    x_pad = jnp.pad(x, ((0, n_pad - n), (0, 0)))

    grid = (n_pad // BR,)

    deg = _agg_call(jnp.ones((n_pad, d), jnp.float32), dst_w, dst_w)

    h1 = pl.pallas_call(
        _mm_body, grid=grid,
        in_specs=[_rows_spec(d), _full_spec(d, d)],
        out_specs=_rows_spec(d),
        out_shape=jax.ShapeDtypeStruct((n_pad, d), jnp.float32),
    )(x_pad, W1)

    u1, dinv = pl.pallas_call(
        _finish1_body, grid=grid,
        in_specs=[_rows_spec(d), _rows_spec(WIN), _rows_spec(WIN)],
        out_specs=[_rows_spec(d), _rows_spec(1)],
        out_shape=[jax.ShapeDtypeStruct((n_pad, d), jnp.float32),
                   jax.ShapeDtypeStruct((n_pad, 1), jnp.float32)],
    )(h1, deg[0], deg[1])

    agg1 = _agg_call(u1, src_w, dst_w)

    u2 = pl.pallas_call(
        _mid_body, grid=grid,
        in_specs=[_rows_spec(d), _rows_spec(d), _rows_spec(d), _rows_spec(1),
                  _full_spec(1, d), _full_spec(d, d)],
        out_specs=_rows_spec(d),
        out_shape=jax.ShapeDtypeStruct((n_pad, d), jnp.float32),
    )(agg1[0], agg1[1], u1, dinv, b1.reshape(1, d), W2)

    agg2 = _agg_call(u2, src_w, dst_w)

    out = pl.pallas_call(
        _out_body, grid=grid,
        in_specs=[_rows_spec(d), _rows_spec(d), _rows_spec(d), _rows_spec(1),
                  _full_spec(1, d)],
        out_specs=_rows_spec(d),
        out_shape=jax.ShapeDtypeStruct((n_pad, d), jnp.float32),
    )(agg2[0], agg2[1], u2, dinv, b2.reshape(1, d))

    return out[:n]


def kernel(x, edge_index, W1, b1, W2, b2):
    return _run(x, edge_index, W1, b1, W2, b2)

# --- scband reference (transcript-rebuilt; emitter-appended) ---
"""Pipeline reference for scband-gnnmodel-2241972928748 (READ-ONLY COPY).

The authoritative reference and input builder live on the scoring server;
editing this copy changes nothing except your own understanding.
"""

import jax, jax.numpy as jnp
import numpy as np

N = 10000
E = 320000
D = 128


def gcn_conv(x, edge_index, W, b):
    n = x.shape[0]
    src = edge_index[0]
    dst = edge_index[1]
    # add self loops (PyG GCNConv default add_self_loops=True)
    loop = jnp.arange(n, dtype=src.dtype)
    src = jnp.concatenate([src, loop])
    dst = jnp.concatenate([dst, loop])
    # symmetric normalization D^{-1/2} A D^{-1/2}
    deg = jnp.zeros((n,), x.dtype).at[dst].add(1.0)
    dinv = jnp.where(deg > 0, jax.lax.rsqrt(deg), 0.0)
    norm = dinv[src] * dinv[dst]
    h = x @ W
    msg = h[src] * norm[:, None]
    out = jnp.zeros((n, h.shape[1]), x.dtype).at[dst].add(msg)
    return out + b


def setup_inputs(seed: int = 0) -> dict:
    key = jax.random.key(seed)
    k1, k2, k3, k4, k5, k6 = jax.random.split(key, 6)
    x = jax.random.normal(k1, (N, D), dtype=jnp.float32)
    edge_index = jax.random.randint(k2, (2, E), 0, N, dtype=jnp.int64)
    s = 1.0 / np.sqrt(D)
    W1 = jax.random.uniform(k3, (D, D), jnp.float32, -s, s)
    b1 = jnp.zeros((D,), jnp.float32)
    W2 = jax.random.uniform(k4, (D, D), jnp.float32, -s, s)
    b2 = jnp.zeros((D,), jnp.float32)
    return {"x": x, "edge_index": edge_index, "W1": W1, "b1": b1, "W2": W2, "b2": b2}


def reference(x, edge_index, W1, b1, W2, b2):
    # layer 1: GCNConv(ch_in=128 -> ch_hidden=128)
    h = gcn_conv(x, edge_index, W1, b1)
    h = jax.nn.relu(h)
    # Dropout(0.1): identity in eval mode (deterministic reference)
    # layer 2: GCNConv(in_channels=ch_in -> ch_out=128)  [note: original code never updates in_channels]
    out = gcn_conv(h, edge_index, W2, b2)
    return out

if __name__ == "__main__":
    import jax
    _d = setup_inputs()
    print(jax.jit(kernel)(*tuple(_d.values())))

</pallas_src>

<mosaic_0001>
#map = affine_map<(d0, d1) -> (0, 0)>
#map1 = affine_map<(d0, d1) -> (0, 0, 0)>
module attributes {stable_mosaic.version = 14 : i64} {
  func.func @k(%arg0: i32, %arg1: i32, %arg2: memref<10240x128xf32, #tpu.memory_space<hbm>>, %arg3: memref<2560x128xi32, #tpu.memory_space<hbm>>, %arg4: memref<2560x128xi32, #tpu.memory_space<hbm>>, %arg5: memref<2x10240x128xf32, #tpu.memory_space<hbm>>, %arg6: memref<10240x128xf32, #tpu.memory_space<vmem_shared>>, %arg7: memref<128x128xf32, #tpu.memory_space<vmem>>, %arg8: memref<128x128xf32, #tpu.memory_space<vmem>>, %arg9: memref<16x128xf32, #tpu.memory_space<vmem>>, %arg10: memref<128xi32, #tpu.memory_space<vmem>>, %arg11: memref<128xi32, #tpu.memory_space<vmem>>, %arg12: memref<128xi32, #tpu.memory_space<vmem>>, %arg13: memref<128xi32, #tpu.memory_space<vmem>>, %arg14: memref<!tpu.dma_semaphore, #tpu.memory_space<semaphore_mem>>, %arg15: memref<!tpu.dma_semaphore, #tpu.memory_space<semaphore_mem>>) attributes {dimension_semantics = [#tpu.dimension_semantics<core_parallel>, #tpu.dimension_semantics<subcore_parallel>], iteration_bounds = array<i64: 2, 16>, scalar_prefetch = 0 : i64, scratch_operands = 10 : i64, tpu.core_type = #tpu.core_type<sc_vector_subcore>, window_params = [{transform_indices = #map}, {transform_indices = #map}, {transform_indices = #map}, {transform_indices = #map1}]} {
    %mul3A = arith.constant 16 : i32
    %mul3A_0 = arith.muli %arg0, %mul3A : i32
    %add3A = arith.addi %mul3A_0, %arg1 : i32
    %mul3A_1 = arith.constant 640 : i32
    %mul3A_2 = arith.muli %arg1, %mul3A_1 : i32
    %scan3A = arith.constant 0 : i32
    %scan3A_3 = arith.constant 16 : i32
    %scan3A_4 = arith.addi %scan3A, %scan3A_3 : i32
    %scan3A_5 = arith.constant 1 : i32
    scf.for %scan3A_18 = %scan3A to %scan3A_4 step %scan3A_5  : i32 {
      %mul3A_19 = arith.constant 1 : i32
      %mul3A_20 = arith.muli %scan3A_18, %mul3A_19 : i32
      %add3A_21 = arith.constant 0 : i32
      %add3A_22 = arith.addi %add3A_21, %mul3A_20 : i32
      %scan3A_23 = arith.constant 0 : i32
      %scan3A_24 = arith.constant 8 : i32
      %scan3A_25 = arith.addi %scan3A_23, %scan3A_24 : i32
      %scan3A_26 = arith.constant 1 : i32
      scf.for %scan3A_28 = %scan3A_23 to %scan3A_25 step %scan3A_26  : i32 {
        %mul3A_29 = arith.constant 1 : i32
        %mul3A_30 = arith.muli %scan3A_28, %mul3A_29 : i32
        %add3A_31 = arith.constant 0 : i32
        %add3A_32 = arith.addi %add3A_31, %mul3A_30 : i32
        %broadcast_in_dim3A = arith.constant 0.000000e+00 : f32
        %broadcast_in_dim3A_33 = vector.broadcast %broadcast_in_dim3A : f32 to vector<1x16xf32>
        %mul3A_34 = arith.constant 16 : i32
        %mul3A_35 = arith.muli %add3A_32, %mul3A_34 : i32
        %swap3A = arith.index_cast %add3A_22 : i32 to index
        %swap3A_36 = arith.index_cast %mul3A_35 : i32 to index
        %swap3A_37 = tpu.vector_load %arg9[%swap3A, %swap3A_36] {strides = array<i32>} : memref<16x128xf32, #tpu.memory_space<vmem>>, vector<1x16xf32>,
        %swap3A_38 = vector.shape_cast %swap3A_37 : vector<1x16xf32> to vector<1x16xf32>
        %swap3A_39 = vector.shape_cast %broadcast_in_dim3A_33 : vector<1x16xf32> to vector<1x16xf32>
        tpu.vector_store %arg9[%swap3A, %swap3A_36], %swap3A_39 {strides = array<i32>} : memref<16x128xf32, #tpu.memory_space<vmem>>, vector<1x16xf32>,
      }
      %scan3A_27 = arith.constant 8 : i32
    }
    %scan3A_6 = arith.constant 16 : i32
    %scan3A_7 = arith.constant 0 : i32
    %scan3A_8 = arith.constant 40 : i32
    %scan3A_9 = arith.addi %scan3A_7, %scan3A_8 : i32
    %scan3A_10 = arith.constant 1 : i32
    scf.for %scan3A_18 = %scan3A_7 to %scan3A_9 step %scan3A_10  : i32 {
      %mul3A_19 = arith.constant 1 : i32
      %mul3A_20 = arith.muli %scan3A_18, %mul3A_19 : i32
      %add3A_21 = arith.constant 0 : i32
      %add3A_22 = arith.addi %add3A_21, %mul3A_20 : i32
      %mul3A_23 = arith.constant 16 : i32
      %mul3A_24 = arith.muli %add3A_22, %mul3A_23 : i32
      %add3A_25 = arith.addi %mul3A_2, %mul3A_24 : i32
      "tpu.region"() ({
        %run_scoped3A = tpu.sem_alloc : memref<!tpu.dma_semaphore, #tpu.memory_space<semaphore_mem>>
        %dma_start3A = arith.constant 0 : i32
        %dma_start3A_26 = tpu.memref_slice %arg6[%add3A_25, %dma_start3A] : memref<10240x128xf32, #tpu.memory_space<vmem_shared>> -> memref<16x128xf32, #tpu.memory_space<vmem_shared>>
        %dma_start3A_27 = arith.constant 0 : i32
        %dma_start3A_28 = tpu.memref_slice %arg6[%add3A_25, %dma_start3A_27] : memref<10240x128xf32, #tpu.memory_space<vmem_shared>> -> memref<16x128xf32, #tpu.memory_space<vmem_shared>>
        tpu.enqueue_dma source(%arg9 : memref<16x128xf32, #tpu.memory_space<vmem>>) target(%dma_start3A_28 : memref<16x128xf32, #tpu.memory_space<vmem_shared>>) target_semaphore(%run_scoped3A : memref<!tpu.dma_semaphore, #tpu.memory_space<semaphore_mem>>)
        %dma_wait3A = arith.constant 0 : i32
        %dma_wait3A_29 = tpu.memref_slice %arg6[%add3A_25, %dma_wait3A] : memref<10240x128xf32, #tpu.memory_space<vmem_shared>> -> memref<16x128xf32, #tpu.memory_space<vmem_shared>>
        %dma_wait3A_30 = arith.constant 0 : i32
        %dma_wait3A_31 = tpu.memref_slice %arg6[%add3A_25, %dma_wait3A_30] : memref<10240x128xf32, #tpu.memory_space<vmem_shared>> -> memref<16x128xf32, #tpu.memory_space<vmem_shared>>
        tpu.wait_dma2 semaphore(%run_scoped3A : memref<!tpu.dma_semaphore, #tpu.memory_space<semaphore_mem>>) src(%arg9 : memref<16x128xf32, #tpu.memory_space<vmem>>) dst(%dma_wait3A_31 : memref<16x128xf32, #tpu.memory_space<vmem_shared>>)
        tpu.yield
      }) : () -> ()
    }
    %scan3A_11 = arith.constant 40 : i32
    %barrier3A = arith.constant 0 : index
    tpu.barrier barrier_id(%barrier3A)
    %scan3A_12 = arith.constant 0 : i32
    %scan3A_13 = arith.constant 40 : i32
    %scan3A_14 = arith.addi %scan3A_12, %scan3A_13 : i32
    %scan3A_15 = arith.constant 1 : i32
    scf.for %scan3A_18 = %scan3A_12 to %scan3A_14 step %scan3A_15  : i32 {
      %mul3A_19 = arith.constant 2 : i32
      %mul3A_20 = arith.muli %scan3A_18, %mul3A_19 : i32
      %add3A_21 = arith.constant 0 : i32
      %add3A_22 = arith.addi %add3A_21, %mul3A_20 : i32
      %mul3A_23 = arith.constant 80 : i32
      %mul3A_24 = arith.muli %add3A, %mul3A_23 : i32
      %add3A_25 = arith.addi %mul3A_24, %add3A_22 : i32
      "tpu.region"() ({
        %run_scoped3A = tpu.sem_alloc : memref<!tpu.dma_semaphore, #tpu.memory_space<semaphore_mem>>
        %dma_start3A_40 = arith.constant 0 : i32
        %dma_start3A_41 = tpu.memref_slice %arg3[%add3A_25, %dma_start3A_40] : memref<2560x128xi32, #tpu.memory_space<hbm>> -> memref<1x128xi32, #tpu.memory_space<hbm>>
        %dma_start3A_42 = tpu.memref_squeeze %dma_start3A_41 : memref<1x128xi32, #tpu.memory_space<hbm>> -> memref<128xi32, #tpu.memory_space<hbm>>
        %dma_start3A_43 = arith.constant 0 : i32
        %dma_start3A_44 = tpu.memref_slice %arg3[%add3A_25, %dma_start3A_43] : memref<2560x128xi32, #tpu.memory_space<hbm>> -> memref<1x128xi32, #tpu.memory_space<hbm>>
        %dma_start3A_45 = tpu.memref_squeeze %dma_start3A_44 : memref<1x128xi32, #tpu.memory_space<hbm>> -> memref<128xi32, #tpu.memory_space<hbm>>
        tpu.enqueue_dma source(%dma_start3A_45 : memref<128xi32, #tpu.memory_space<hbm>>) target(%arg10 : memref<128xi32, #tpu.memory_space<vmem>>) target_semaphore(%run_scoped3A : memref<!tpu.dma_semaphore, #tpu.memory_space<semaphore_mem>>)
        %dma_wait3A_46 = arith.constant 0 : i32
        %dma_wait3A_47 = tpu.memref_slice %arg3[%add3A_25, %dma_wait3A_46] : memref<2560x128xi32, #tpu.memory_space<hbm>> -> memref<1x128xi32, #tpu.memory_space<hbm>>
        %dma_wait3A_48 = tpu.memref_squeeze %dma_wait3A_47 : memref<1x128xi32, #tpu.memory_space<hbm>> -> memref<128xi32, #tpu.memory_space<hbm>>
        %dma_wait3A_49 = arith.constant 0 : i32
        %dma_wait3A_50 = tpu.memref_slice %arg3[%add3A_25, %dma_wait3A_49] : memref<2560x128xi32, #tpu.memory_space<hbm>> -> memref<1x128xi32, #tpu.memory_space<hbm>>
        %dma_wait3A_51 = tpu.memref_squeeze %dma_wait3A_50 : memref<1x128xi32, #tpu.memory_space<hbm>> -> memref<128xi32, #tpu.memory_space<hbm>>
        tpu.wait_dma2 semaphore(%run_scoped3A : memref<!tpu.dma_semaphore, #tpu.memory_space<semaphore_mem>>) src(%dma_wait3A_51 : memref<128xi32, #tpu.memory_space<hbm>>) dst(%arg10 : memref<128xi32, #tpu.memory_space<vmem>>)
        tpu.yield
      }) : () -> ()
      "tpu.region"() ({
        %run_scoped3A = tpu.sem_alloc : memref<!tpu.dma_semaphore, #tpu.memory_space<semaphore_mem>>
        %dma_start3A_40 = arith.constant 0 : i32
        %dma_start3A_41 = tpu.memref_slice %arg4[%add3A_25, %dma_start3A_40] : memref<2560x128xi32, #tpu.memory_space<hbm>> -> memref<1x128xi32, #tpu.memory_space<hbm>>
        %dma_start3A_42 = tpu.memref_squeeze %dma_start3A_41 : memref<1x128xi32, #tpu.memory_space<hbm>> -> memref<128xi32, #tpu.memory_space<hbm>>
        %dma_start3A_43 = arith.constant 0 : i32
        %dma_start3A_44 = tpu.memref_slice %arg4[%add3A_25, %dma_start3A_43] : memref<2560x128xi32, #tpu.memory_space<hbm>> -> memref<1x128xi32, #tpu.memory_space<hbm>>
        %dma_start3A_45 = tpu.memref_squeeze %dma_start3A_44 : memref<1x128xi32, #tpu.memory_space<hbm>> -> memref<128xi32, #tpu.memory_space<hbm>>
        tpu.enqueue_dma source(%dma_start3A_45 : memref<128xi32, #tpu.memory_space<hbm>>) target(%arg12 : memref<128xi32, #tpu.memory_space<vmem>>) target_semaphore(%run_scoped3A : memref<!tpu.dma_semaphore, #tpu.memory_space<semaphore_mem>>)
        %dma_wait3A_46 = arith.constant 0 : i32
        %dma_wait3A_47 = tpu.memref_slice %arg4[%add3A_25, %dma_wait3A_46] : memref<2560x128xi32, #tpu.memory_space<hbm>> -> memref<1x128xi32, #tpu.memory_space<hbm>>
        %dma_wait3A_48 = tpu.memref_squeeze %dma_wait3A_47 : memref<1x128xi32, #tpu.memory_space<hbm>> -> memref<128xi32, #tpu.memory_space<hbm>>
        %dma_wait3A_49 = arith.constant 0 : i32
        %dma_wait3A_50 = tpu.memref_slice %arg4[%add3A_25, %dma_wait3A_49] : memref<2560x128xi32, #tpu.memory_space<hbm>> -> memref<1x128xi32, #tpu.memory_space<hbm>>
        %dma_wait3A_51 = tpu.memref_squeeze %dma_wait3A_50 : memref<1x128xi32, #tpu.memory_space<hbm>> -> memref<128xi32, #tpu.memory_space<hbm>>
        tpu.wait_dma2 semaphore(%run_scoped3A : memref<!tpu.dma_semaphore, #tpu.memory_space<semaphore_mem>>) src(%dma_wait3A_51 : memref<128xi32, #tpu.memory_space<hbm>>) dst(%arg12 : memref<128xi32, #tpu.memory_space<vmem>>)
        tpu.yield
      }) : () -> ()
      %dma_start3A = arith.constant 0 : i32
      %dma_start3A_26 = arith.constant 0 : i32
      %dma_start3A_27 = tpu.memref_slice %arg2[%dma_start3A, %dma_start3A_26] : memref<10240x128xf32, #tpu.memory_space<hbm>> -> memref<10240x128xf32, #tpu.memory_space<hbm>>
      tpu.enqueue_indirect_dma source(%dma_start3A_27 : memref<10240x128xf32, #tpu.memory_space<hbm>>) target(%arg7 : memref<128x128xf32, #tpu.memory_space<vmem>>) offsets(%arg10 : memref<128xi32, #tpu.memory_space<vmem>>) semaphore(%arg14 : memref<!tpu.dma_semaphore, #tpu.memory_space<semaphore_mem>>)
      %add3A_28 = arith.constant 1 : i32
      %add3A_29 = arith.addi %add3A_25, %add3A_28 : i32
      "tpu.region"() ({
        %run_scoped3A = tpu.sem_alloc : memref<!tpu.dma_semaphore, #tpu.memory_space<semaphore_mem>>
        %dma_start3A_40 = arith.constant 0 : i32
        %dma_start3A_41 = tpu.memref_slice %arg3[%add3A_29, %dma_start3A_40] : memref<2560x128xi32, #tpu.memory_space<hbm>> -> memref<1x128xi32, #tpu.memory_space<hbm>>
        %dma_start3A_42 = tpu.memref_squeeze %dma_start3A_41 : memref<1x128xi32, #tpu.memory_space<hbm>> -> memref<128xi32, #tpu.memory_space<hbm>>
        %dma_start3A_43 = arith.constant 0 : i32
        %dma_start3A_44 = tpu.memref_slice %arg3[%add3A_29, %dma_start3A_43] : memref<2560x128xi32, #tpu.memory_space<hbm>> -> memref<1x128xi32, #tpu.memory_space<hbm>>
        %dma_start3A_45 = tpu.memref_squeeze %dma_start3A_44 : memref<1x128xi32, #tpu.memory_space<hbm>> -> memref<128xi32, #tpu.memory_space<hbm>>
        tpu.enqueue_dma source(%dma_start3A_45 : memref<128xi32, #tpu.memory_space<hbm>>) target(%arg11 : memref<128xi32, #tpu.memory_space<vmem>>) target_semaphore(%run_scoped3A : memref<!tpu.dma_semaphore, #tpu.memory_space<semaphore_mem>>)
        %dma_wait3A_46 = arith.constant 0 : i32
        %dma_wait3A_47 = tpu.memref_slice %arg3[%add3A_29, %dma_wait3A_46] : memref<2560x128xi32, #tpu.memory_space<hbm>> -> memref<1x128xi32, #tpu.memory_space<hbm>>
        %dma_wait3A_48 = tpu.memref_squeeze %dma_wait3A_47 : memref<1x128xi32, #tpu.memory_space<hbm>> -> memref<128xi32, #tpu.memory_space<hbm>>
        %dma_wait3A_49 = arith.constant 0 : i32
        %dma_wait3A_50 = tpu.memref_slice %arg3[%add3A_29, %dma_wait3A_49] : memref<2560x128xi32, #tpu.memory_space<hbm>> -> memref<1x128xi32, #tpu.memory_space<hbm>>
        %dma_wait3A_51 = tpu.memref_squeeze %dma_wait3A_50 : memref<1x128xi32, #tpu.memory_space<hbm>> -> memref<128xi32, #tpu.memory_space<hbm>>
        tpu.wait_dma2 semaphore(%run_scoped3A : memref<!tpu.dma_semaphore, #tpu.memory_space<semaphore_mem>>) src(%dma_wait3A_51 : memref<128xi32, #tpu.memory_space<hbm>>) dst(%arg11 : memref<128xi32, #tpu.memory_space<vmem>>)
        tpu.yield
      }) : () -> ()
      %add3A_30 = arith.constant 1 : i32
      %add3A_31 = arith.addi %add3A_25, %add3A_30 : i32
      "tpu.region"() ({
        %run_scoped3A = tpu.sem_alloc : memref<!tpu.dma_semaphore, #tpu.memory_space<semaphore_mem>>
        %dma_start3A_40 = arith.constant 0 : i32
        %dma_start3A_41 = tpu.memref_slice %arg4[%add3A_31, %dma_start3A_40] : memref<2560x128xi32, #tpu.memory_space<hbm>> -> memref<1x128xi32, #tpu.memory_space<hbm>>
        %dma_start3A_42 = tpu.memref_squeeze %dma_start3A_41 : memref<1x128xi32, #tpu.memory_space<hbm>> -> memref<128xi32, #tpu.memory_space<hbm>>
        %dma_start3A_43 = arith.constant 0 : i32
        %dma_start3A_44 = tpu.memref_slice %arg4[%add3A_31, %dma_start3A_43] : memref<2560x128xi32, #tpu.memory_space<hbm>> -> memref<1x128xi32, #tpu.memory_space<hbm>>
        %dma_start3A_45 = tpu.memref_squeeze %dma_start3A_44 : memref<1x128xi32, #tpu.memory_space<hbm>> -> memref<128xi32, #tpu.memory_space<hbm>>
        tpu.enqueue_dma source(%dma_start3A_45 : memref<128xi32, #tpu.memory_space<hbm>>) target(%arg13 : memref<128xi32, #tpu.memory_space<vmem>>) target_semaphore(%run_scoped3A : memref<!tpu.dma_semaphore, #tpu.memory_space<semaphore_mem>>)
        %dma_wait3A_46 = arith.constant 0 : i32
        %dma_wait3A_47 = tpu.memref_slice %arg4[%add3A_31, %dma_wait3A_46] : memref<2560x128xi32, #tpu.memory_space<hbm>> -> memref<1x128xi32, #tpu.memory_space<hbm>>
        %dma_wait3A_48 = tpu.memref_squeeze %dma_wait3A_47 : memref<1x128xi32, #tpu.memory_space<hbm>> -> memref<128xi32, #tpu.memory_space<hbm>>
        %dma_wait3A_49 = arith.constant 0 : i32
        %dma_wait3A_50 = tpu.memref_slice %arg4[%add3A_31, %dma_wait3A_49] : memref<2560x128xi32, #tpu.memory_space<hbm>> -> memref<1x128xi32, #tpu.memory_space<hbm>>
        %dma_wait3A_51 = tpu.memref_squeeze %dma_wait3A_50 : memref<1x128xi32, #tpu.memory_space<hbm>> -> memref<128xi32, #tpu.memory_space<hbm>>
        tpu.wait_dma2 semaphore(%run_scoped3A : memref<!tpu.dma_semaphore, #tpu.memory_space<semaphore_mem>>) src(%dma_wait3A_51 : memref<128xi32, #tpu.memory_space<hbm>>) dst(%arg13 : memref<128xi32, #tpu.memory_space<vmem>>)
        tpu.yield
      }) : () -> ()
      %dma_start3A_32 = arith.constant 0 : i32
      %dma_start3A_33 = arith.constant 0 : i32
      %dma_start3A_34 = tpu.memref_slice %arg2[%dma_start3A_32, %dma_start3A_33] : memref<10240x128xf32, #tpu.memory_space<hbm>> -> memref<10240x128xf32, #tpu.memory_space<hbm>>
      tpu.enqueue_indirect_dma source(%dma_start3A_34 : memref<10240x128xf32, #tpu.memory_space<hbm>>) target(%arg8 : memref<128x128xf32, #tpu.memory_space<vmem>>) offsets(%arg11 : memref<128xi32, #tpu.memory_space<vmem>>) semaphore(%arg15 : memref<!tpu.dma_semaphore, #tpu.memory_space<semaphore_mem>>)
      %dma_wait3A = arith.constant 0 : i32
      %dma_wait3A_35 = arith.constant 0 : i32
      %dma_wait3A_36 = tpu.memref_slice %arg2[%dma_wait3A, %dma_wait3A_35] : memref<10240x128xf32, #tpu.memory_space<hbm>> -> memref<10240x128xf32, #tpu.memory_space<hbm>>
      tpu.wait_indirect_dma semaphore(%arg14 : memref<!tpu.dma_semaphore, #tpu.memory_space<semaphore_mem>>) src(%dma_wait3A_36 : memref<10240x128xf32, #tpu.memory_space<hbm>>) dst(%arg7 : memref<128x128xf32, #tpu.memory_space<vmem>>)
      "tpu.region"() ({
        %run_scoped3A = tpu.sem_alloc : memref<!tpu.dma_semaphore, #tpu.memory_space<semaphore_mem>>
        %dma_start3A_40 = arith.constant 0 : i32
        %dma_start3A_41 = arith.constant 0 : i32
        %dma_start3A_42 = tpu.memref_slice %arg6[%dma_start3A_40, %dma_start3A_41] : memref<10240x128xf32, #tpu.memory_space<vmem_shared>> -> memref<10240x128xf32, #tpu.memory_space<vmem_shared>>
        tpu.enqueue_indirect_dma source(%arg7 : memref<128x128xf32, #tpu.memory_space<vmem>>) target(%dma_start3A_42 : memref<10240x128xf32, #tpu.memory_space<vmem_shared>>) offsets(%arg12 : memref<128xi32, #tpu.memory_space<vmem>>) semaphore(%run_scoped3A : memref<!tpu.dma_semaphore, #tpu.memory_space<semaphore_mem>>) {add = true}
        %dma_wait3A_43 = arith.constant 0 : i32
        %dma_wait3A_44 = arith.constant 0 : i32
        %dma_wait3A_45 = tpu.memref_slice %arg6[%dma_wait3A_43, %dma_wait3A_44] : memref<10240x128xf32, #tpu.memory_space<vmem_shared>> -> memref<10240x128xf32, #tpu.memory_space<vmem_shared>>
        tpu.wait_indirect_dma semaphore(%run_scoped3A : memref<!tpu.dma_semaphore, #tpu.memory_space<semaphore_mem>>) src(%arg7 : memref<128x128xf32, #tpu.memory_space<vmem>>) dst(%dma_wait3A_45 : memref<10240x128xf32, #tpu.memory_space<vmem_shared>>)
        tpu.yield
      }) : () -> ()
      %dma_wait3A_37 = arith.constant 0 : i32
      %dma_wait3A_38 = arith.constant 0 : i32
      %dma_wait3A_39 = tpu.memref_slice %arg2[%dma_wait3A_37, %dma_wait3A_38] : memref<10240x128xf32, #tpu.memory_space<hbm>> -> memref<10240x128xf32, #tpu.memory_space<hbm>>
      tpu.wait_indirect_dma semaphore(%arg15 : memref<!tpu.dma_semaphore, #tpu.memory_space<semaphore_mem>>) src(%dma_wait3A_39 : memref<10240x128xf32, #tpu.memory_space<hbm>>) dst(%arg8 : memref<128x128xf32, #tpu.memory_space<vmem>>)
      "tpu.region"() ({
        %run_scoped3A = tpu.sem_alloc : memref<!tpu.dma_semaphore, #tpu.memory_space<semaphore_mem>>
        %dma_start3A_40 = arith.constant 0 : i32
        %dma_start3A_41 = arith.constant 0 : i32
        %dma_start3A_42 = tpu.memref_slice %arg6[%dma_start3A_40, %dma_start3A_41] : memref<10240x128xf32, #tpu.memory_space<vmem_shared>> -> memref<10240x128xf32, #tpu.memory_space<vmem_shared>>
        tpu.enqueue_indirect_dma source(%arg8 : memref<128x128xf32, #tpu.memory_space<vmem>>) target(%dma_start3A_42 : memref<10240x128xf32, #tpu.memory_space<vmem_shared>>) offsets(%arg13 : memref<128xi32, #tpu.memory_space<vmem>>) semaphore(%run_scoped3A : memref<!tpu.dma_semaphore, #tpu.memory_space<semaphore_mem>>) {add = true}
        %dma_wait3A_43 = arith.constant 0 : i32
        %dma_wait3A_44 = arith.constant 0 : i32
        %dma_wait3A_45 = tpu.memref_slice %arg6[%dma_wait3A_43, %dma_wait3A_44] : memref<10240x128xf32, #tpu.memory_space<vmem_shared>> -> memref<10240x128xf32, #tpu.memory_space<vmem_shared>>
        tpu.wait_indirect_dma semaphore(%run_scoped3A : memref<!tpu.dma_semaphore, #tpu.memory_space<semaphore_mem>>) src(%arg8 : memref<128x128xf32, #tpu.memory_space<vmem>>) dst(%dma_wait3A_45 : memref<10240x128xf32, #tpu.memory_space<vmem_shared>>)
        tpu.yield
      }) : () -> ()
    }
    %scan3A_16 = arith.constant 40 : i32
    %barrier3A_17 = arith.constant 0 : index
    tpu.barrier barrier_id(%barrier3A_17)
    "tpu.region"() ({
      %run_scoped3A = tpu.sem_alloc : memref<!tpu.dma_semaphore, #tpu.memory_space<semaphore_mem>>
      %dma_start3A = arith.constant 0 : i32
      %dma_start3A_18 = arith.constant 0 : i32
      %dma_start3A_19 = tpu.memref_slice %arg5[%arg0, %dma_start3A, %dma_start3A_18] : memref<2x10240x128xf32, #tpu.memory_space<hbm>> -> memref<1x10240x128xf32, #tpu.memory_space<hbm>>
      %dma_start3A_20 = tpu.memref_squeeze %dma_start3A_19 : memref<1x10240x128xf32, #tpu.memory_space<hbm>> -> memref<10240x128xf32, #tpu.memory_space<hbm>>
      %dma_start3A_21 = arith.constant 0 : i32
      %dma_start3A_22 = tpu.memref_slice %dma_start3A_20[%mul3A_2, %dma_start3A_21] : memref<10240x128xf32, #tpu.memory_space<hbm>> -> memref<640x128xf32, #tpu.memory_space<hbm>>
      %dma_start3A_23 = arith.constant 0 : i32
      %dma_start3A_24 = tpu.memref_slice %arg6[%mul3A_2, %dma_start3A_23] : memref<10240x128xf32, #tpu.memory_space<vmem_shared>> -> memref<640x128xf32, #tpu.memory_space<vmem_shared>>
      tpu.enqueue_dma source(%dma_start3A_24 : memref<640x128xf32, #tpu.memory_space<vmem_shared>>) target(%dma_start3A_22 : memref<640x128xf32, #tpu.memory_space<hbm>>) target_semaphore(%run_scoped3A : memref<!tpu.dma_semaphore, #tpu.memory_space<semaphore_mem>>)
      %dma_wait3A = arith.constant 0 : i32
      %dma_wait3A_25 = arith.constant 0 : i32
      %dma_wait3A_26 = tpu.memref_slice %arg5[%arg0, %dma_wait3A, %dma_wait3A_25] : memref<2x10240x128xf32, #tpu.memory_space<hbm>> -> memref<1x10240x128xf32, #tpu.memory_space<hbm>>
      %dma_wait3A_27 = tpu.memref_squeeze %dma_wait3A_26 : memref<1x10240x128xf32, #tpu.memory_space<hbm>> -> memref<10240x128xf32, #tpu.memory_space<hbm>>
      %dma_wait3A_28 = arith.constant 0 : i32
      %dma_wait3A_29 = tpu.memref_slice %dma_wait3A_27[%mul3A_2, %dma_wait3A_28] : memref<10240x128xf32, #tpu.memory_space<hbm>> -> memref<640x128xf32, #tpu.memory_space<hbm>>
      %dma_wait3A_30 = arith.constant 0 : i32
      %dma_wait3A_31 = tpu.memref_slice %arg6[%mul3A_2, %dma_wait3A_30] : memref<10240x128xf32, #tpu.memory_space<vmem_shared>> -> memref<640x128xf32, #tpu.memory_space<vmem_shared>>
      tpu.wait_dma2 semaphore(%run_scoped3A : memref<!tpu.dma_semaphore, #tpu.memory_space<semaphore_mem>>) src(%dma_wait3A_31 : memref<640x128xf32, #tpu.memory_space<vmem_shared>>) dst(%dma_wait3A_29 : memref<640x128xf32, #tpu.memory_space<hbm>>)
      tpu.yield
    }) : () -> ()
    return
  }
}

#map = affine_map<(d0, d1) -> (0, 0)>
#map1 = affine_map<(d0, d1) -> (0, 0, 0)>
module attributes {stable_mosaic.version = 14 : i64} {
  func.func @k(%arg0: i32, %arg1: i32, %arg2: memref<10240x128xf32, #tpu.memory_space<hbm>>, %arg3: memref<2560x128xi32, #tpu.memory_space<hbm>>, %arg4: memref<2560x128xi32, #tpu.memory_space<hbm>>, %arg5: memref<2x10240x128xf32, #tpu.memory_space<hbm>>, %arg6: memref<10240x128xf32, #tpu.memory_space<vmem_shared>>, %arg7: memref<128x128xf32, #tpu.memory_space<vmem>>, %arg8: memref<128x128xf32, #tpu.memory_space<vmem>>, %arg9: memref<16x128xf32, #tpu.memory_space<vmem>>, %arg10: memref<128xi32, #tpu.memory_space<vmem>>, %arg11: memref<128xi32, #tpu.memory_space<vmem>>, %arg12: memref<128xi32, #tpu.memory_space<vmem>>, %arg13: memref<128xi32, #tpu.memory_space<vmem>>, %arg14: memref<!tpu.dma_semaphore, #tpu.memory_space<semaphore_mem>>, %arg15: memref<!tpu.dma_semaphore, #tpu.memory_space<semaphore_mem>>) attributes {dimension_semantics = [#tpu.dimension_semantics<core_parallel>, #tpu.dimension_semantics<subcore_parallel>], iteration_bounds = array<i64: 2, 16>, scalar_prefetch = 0 : i64, scratch_operands = 10 : i64, tpu.core_type = #tpu.core_type<sc_vector_subcore>, window_params = [{transform_indices = #map}, {transform_indices = #map}, {transform_indices = #map}, {transform_indices = #map1}]} {
    %mul3A = arith.constant 16 : i32
    %mul3A_0 = arith.muli %arg0, %mul3A : i32
    %add3A = arith.addi %mul3A_0, %arg1 : i32
    %mul3A_1 = arith.constant 640 : i32
    %mul3A_2 = arith.muli %arg1, %mul3A_1 : i32
    %scan3A = arith.constant 0 : i32
    %scan3A_3 = arith.constant 16 : i32
    %scan3A_4 = arith.addi %scan3A, %scan3A_3 : i32
    %scan3A_5 = arith.constant 1 : i32
    scf.for %scan3A_18 = %scan3A to %scan3A_4 step %scan3A_5  : i32 {
      %mul3A_19 = arith.constant 1 : i32
      %mul3A_20 = arith.muli %scan3A_18, %mul3A_19 : i32
      %add3A_21 = arith.constant 0 : i32
      %add3A_22 = arith.addi %add3A_21, %mul3A_20 : i32
      %scan3A_23 = arith.constant 0 : i32
      %scan3A_24 = arith.constant 8 : i32
      %scan3A_25 = arith.addi %scan3A_23, %scan3A_24 : i32
      %scan3A_26 = arith.constant 1 : i32
      scf.for %scan3A_28 = %scan3A_23 to %scan3A_25 step %scan3A_26  : i32 {
        %mul3A_29 = arith.constant 1 : i32
        %mul3A_30 = arith.muli %scan3A_28, %mul3A_29 : i32
        %add3A_31 = arith.constant 0 : i32
        %add3A_32 = arith.addi %add3A_31, %mul3A_30 : i32
        %broadcast_in_dim3A = arith.constant 0.000000e+00 : f32
        %broadcast_in_dim3A_33 = vector.broadcast %broadcast_in_dim3A : f32 to vector<1x16xf32>
        %mul3A_34 = arith.constant 16 : i32
        %mul3A_35 = arith.muli %add3A_32, %mul3A_34 : i32
        %swap3A = arith.index_cast %add3A_22 : i32 to index
        %swap3A_36 = arith.index_cast %mul3A_35 : i32 to index
        %swap3A_37 = tpu.vector_load %arg9[%swap3A, %swap3A_36] {strides = array<i32>} : memref<16x128xf32, #tpu.memory_space<vmem>>, vector<1x16xf32>,
        %swap3A_38 = vector.shape_cast %swap3A_37 : vector<1x16xf32> to vector<1x16xf32>
        %swap3A_39 = vector.shape_cast %broadcast_in_dim3A_33 : vector<1x16xf32> to vector<1x16xf32>
        tpu.vector_store %arg9[%swap3A, %swap3A_36], %swap3A_39 {strides = array<i32>} : memref<16x128xf32, #tpu.memory_space<vmem>>, vector<1x16xf32>,
      }
      %scan3A_27 = arith.constant 8 : i32
    }
    %scan3A_6 = arith.constant 16 : i32
    %scan3A_7 = arith.constant 0 : i32
    %scan3A_8 = arith.constant 40 : i32
    %scan3A_9 = arith.addi %scan3A_7, %scan3A_8 : i32
    %scan3A_10 = arith.constant 1 : i32
    scf.for %scan3A_18 = %scan3A_7 to %scan3A_9 step %scan3A_10  : i32 {
      %mul3A_19 = arith.constant 1 : i32
      %mul3A_20 = arith.muli %scan3A_18, %mul3A_19 : i32
      %add3A_21 = arith.constant 0 : i32
      %add3A_22 = arith.addi %add3A_21, %mul3A_20 : i32
      %mul3A_23 = arith.constant 16 : i32
      %mul3A_24 = arith.muli %add3A_22, %mul3A_23 : i32
      %add3A_25 = arith.addi %mul3A_2, %mul3A_24 : i32
      "tpu.region"() ({
        %run_scoped3A = tpu.sem_alloc : memref<!tpu.dma_semaphore, #tpu.memory_space<semaphore_mem>>
        %dma_start3A = arith.constant 0 : i32
        %dma_start3A_26 = tpu.memref_slice %arg6[%add3A_25, %dma_start3A] : memref<10240x128xf32, #tpu.memory_space<vmem_shared>> -> memref<16x128xf32, #tpu.memory_space<vmem_shared>>
        %dma_start3A_27 = arith.constant 0 : i32
        %dma_start3A_28 = tpu.memref_slice %arg6[%add3A_25, %dma_start3A_27] : memref<10240x128xf32, #tpu.memory_space<vmem_shared>> -> memref<16x128xf32, #tpu.memory_space<vmem_shared>>
        tpu.enqueue_dma source(%arg9 : memref<16x128xf32, #tpu.memory_space<vmem>>) target(%dma_start3A_28 : memref<16x128xf32, #tpu.memory_space<vmem_shared>>) target_semaphore(%run_scoped3A : memref<!tpu.dma_semaphore, #tpu.memory_space<semaphore_mem>>)
        %dma_wait3A = arith.constant 0 : i32
        %dma_wait3A_29 = tpu.memref_slice %arg6[%add3A_25, %dma_wait3A] : memref<10240x128xf32, #tpu.memory_space<vmem_shared>> -> memref<16x128xf32, #tpu.memory_space<vmem_shared>>
        %dma_wait3A_30 = arith.constant 0 : i32
        %dma_wait3A_31 = tpu.memref_slice %arg6[%add3A_25, %dma_wait3A_30] : memref<10240x128xf32, #tpu.memory_space<vmem_shared>> -> memref<16x128xf32, #tpu.memory_space<vmem_shared>>
        tpu.wait_dma2 semaphore(%run_scoped3A : memref<!tpu.dma_semaphore, #tpu.memory_space<semaphore_mem>>) src(%arg9 : memref<16x128xf32, #tpu.memory_space<vmem>>) dst(%dma_wait3A_31 : memref<16x128xf32, #tpu.memory_space<vmem_shared>>)
        tpu.yield
      }) : () -> ()
    }
    %scan3A_11 = arith.constant 40 : i32
    %barrier3A = arith.constant 0 : index
    tpu.barrier barrier_id(%barrier3A)
    %scan3A_12 = arith.constant 0 : i32
    %scan3A_13 = arith.constant 40 : i32
    %scan3A_14 = arith.addi %scan3A_12, %scan3A_13 : i32
    %scan3A_15 = arith.constant 1 : i32
    scf.for %scan3A_18 = %scan3A_12 to %scan3A_14 step %scan3A_15  : i32 {
      %mul3A_19 = arith.constant 2 : i32
      %mul3A_20 = arith.muli %scan3A_18, %mul3A_19 : i32
      %add3A_21 = arith.constant 0 : i32
      %add3A_22 = arith.addi %add3A_21, %mul3A_20 : i32
      %mul3A_23 = arith.constant 80 : i32
      %mul3A_24 = arith.muli %add3A, %mul3A_23 : i32
      %add3A_25 = arith.addi %mul3A_24, %add3A_22 : i32
      "tpu.region"() ({
        %run_scoped3A = tpu.sem_alloc : memref<!tpu.dma_semaphore, #tpu.memory_space<semaphore_mem>>
        %dma_start3A_40 = arith.constant 0 : i32
        %dma_start3A_41 = tpu.memref_slice %arg3[%add3A_25, %dma_start3A_40] : memref<2560x128xi32, #tpu.memory_space<hbm>> -> memref<1x128xi32, #tpu.memory_space<hbm>>
        %dma_start3A_42 = tpu.memref_squeeze %dma_start3A_41 : memref<1x128xi32, #tpu.memory_space<hbm>> -> memref<128xi32, #tpu.memory_space<hbm>>
        %dma_start3A_43 = arith.constant 0 : i32
        %dma_start3A_44 = tpu.memref_slice %arg3[%add3A_25, %dma_start3A_43] : memref<2560x128xi32, #tpu.memory_space<hbm>> -> memref<1x128xi32, #tpu.memory_space<hbm>>
        %dma_start3A_45 = tpu.memref_squeeze %dma_start3A_44 : memref<1x128xi32, #tpu.memory_space<hbm>> -> memref<128xi32, #tpu.memory_space<hbm>>
        tpu.enqueue_dma source(%dma_start3A_45 : memref<128xi32, #tpu.memory_space<hbm>>) target(%arg10 : memref<128xi32, #tpu.memory_space<vmem>>) target_semaphore(%run_scoped3A : memref<!tpu.dma_semaphore, #tpu.memory_space<semaphore_mem>>)
        %dma_wait3A_46 = arith.constant 0 : i32
        %dma_wait3A_47 = tpu.memref_slice %arg3[%add3A_25, %dma_wait3A_46] : memref<2560x128xi32, #tpu.memory_space<hbm>> -> memref<1x128xi32, #tpu.memory_space<hbm>>
        %dma_wait3A_48 = tpu.memref_squeeze %dma_wait3A_47 : memref<1x128xi32, #tpu.memory_space<hbm>> -> memref<128xi32, #tpu.memory_space<hbm>>
        %dma_wait3A_49 = arith.constant 0 : i32
        %dma_wait3A_50 = tpu.memref_slice %arg3[%add3A_25, %dma_wait3A_49] : memref<2560x128xi32, #tpu.memory_space<hbm>> -> memref<1x128xi32, #tpu.memory_space<hbm>>
        %dma_wait3A_51 = tpu.memref_squeeze %dma_wait3A_50 : memref<1x128xi32, #tpu.memory_space<hbm>> -> memref<128xi32, #tpu.memory_space<hbm>>
        tpu.wait_dma2 semaphore(%run_scoped3A : memref<!tpu.dma_semaphore, #tpu.memory_space<semaphore_mem>>) src(%dma_wait3A_51 : memref<128xi32, #tpu.memory_space<hbm>>) dst(%arg10 : memref<128xi32, #tpu.memory_space<vmem>>)
        tpu.yield
      }) : () -> ()
      "tpu.region"() ({
        %run_scoped3A = tpu.sem_alloc : memref<!tpu.dma_semaphore, #tpu.memory_space<semaphore_mem>>
        %dma_start3A_40 = arith.constant 0 : i32
        %dma_start3A_41 = tpu.memref_slice %arg4[%add3A_25, %dma_start3A_40] : memref<2560x128xi32, #tpu.memory_space<hbm>> -> memref<1x128xi32, #tpu.memory_space<hbm>>
        %dma_start3A_42 = tpu.memref_squeeze %dma_start3A_41 : memref<1x128xi32, #tpu.memory_space<hbm>> -> memref<128xi32, #tpu.memory_space<hbm>>
        %dma_start3A_43 = arith.constant 0 : i32
        %dma_start3A_44 = tpu.memref_slice %arg4[%add3A_25, %dma_start3A_43] : memref<2560x128xi32, #tpu.memory_space<hbm>> -> memref<1x128xi32, #tpu.memory_space<hbm>>
        %dma_start3A_45 = tpu.memref_squeeze %dma_start3A_44 : memref<1x128xi32, #tpu.memory_space<hbm>> -> memref<128xi32, #tpu.memory_space<hbm>>
        tpu.enqueue_dma source(%dma_start3A_45 : memref<128xi32, #tpu.memory_space<hbm>>) target(%arg12 : memref<128xi32, #tpu.memory_space<vmem>>) target_semaphore(%run_scoped3A : memref<!tpu.dma_semaphore, #tpu.memory_space<semaphore_mem>>)
        %dma_wait3A_46 = arith.constant 0 : i32
        %dma_wait3A_47 = tpu.memref_slice %arg4[%add3A_25, %dma_wait3A_46] : memref<2560x128xi32, #tpu.memory_space<hbm>> -> memref<1x128xi32, #tpu.memory_space<hbm>>
        %dma_wait3A_48 = tpu.memref_squeeze %dma_wait3A_47 : memref<1x128xi32, #tpu.memory_space<hbm>> -> memref<128xi32, #tpu.memory_space<hbm>>
        %dma_wait3A_49 = arith.constant 0 : i32
        %dma_wait3A_50 = tpu.memref_slice %arg4[%add3A_25, %dma_wait3A_49] : memref<2560x128xi32, #tpu.memory_space<hbm>> -> memref<1x128xi32, #tpu.memory_space<hbm>>
        %dma_wait3A_51 = tpu.memref_squeeze %dma_wait3A_50 : memref<1x128xi32, #tpu.memory_space<hbm>> -> memref<128xi32, #tpu.memory_space<hbm>>
        tpu.wait_dma2 semaphore(%run_scoped3A : memref<!tpu.dma_semaphore, #tpu.memory_space<semaphore_mem>>) src(%dma_wait3A_51 : memref<128xi32, #tpu.memory_space<hbm>>) dst(%arg12 : memref<128xi32, #tpu.memory_space<vmem>>)
        tpu.yield
      }) : () -> ()
      %dma_start3A = arith.constant 0 : i32
      %dma_start3A_26 = arith.constant 0 : i32
      %dma_start3A_27 = tpu.memref_slice %arg2[%dma_start3A, %dma_start3A_26] : memref<10240x128xf32, #tpu.memory_space<hbm>> -> memref<10240x128xf32, #tpu.memory_space<hbm>>
      tpu.enqueue_indirect_dma source(%dma_start3A_27 : memref<10240x128xf32, #tpu.memory_space<hbm>>) target(%arg7 : memref<128x128xf32, #tpu.memory_space<vmem>>) offsets(%arg10 : memref<128xi32, #tpu.memory_space<vmem>>) semaphore(%arg14 : memref<!tpu.dma_semaphore, #tpu.memory_space<semaphore_mem>>)
      %add3A_28 = arith.constant 1 : i32
      %add3A_29 = arith.addi %add3A_25, %add3A_28 : i32
      "tpu.region"() ({
        %run_scoped3A = tpu.sem_alloc : memref<!tpu.dma_semaphore, #tpu.memory_space<semaphore_mem>>
        %dma_start3A_40 = arith.constant 0 : i32
        %dma_start3A_41 = tpu.memref_slice %arg3[%add3A_29, %dma_start3A_40] : memref<2560x128xi32, #tpu.memory_space<hbm>> -> memref<1x128xi32, #tpu.memory_space<hbm>>
        %dma_start3A_42 = tpu.memref_squeeze %dma_start3A_41 : memref<1x128xi32, #tpu.memory_space<hbm>> -> memref<128xi32, #tpu.memory_space<hbm>>
        %dma_start3A_43 = arith.constant 0 : i32
        %dma_start3A_44 = tpu.memref_slice %arg3[%add3A_29, %dma_start3A_43] : memref<2560x128xi32, #tpu.memory_space<hbm>> -> memref<1x128xi32, #tpu.memory_space<hbm>>
        %dma_start3A_45 = tpu.memref_squeeze %dma_start3A_44 : memref<1x128xi32, #tpu.memory_space<hbm>> -> memref<128xi32, #tpu.memory_space<hbm>>
        tpu.enqueue_dma source(%dma_start3A_45 : memref<128xi32, #tpu.memory_space<hbm>>) target(%arg11 : memref<128xi32, #tpu.memory_space<vmem>>) target_semaphore(%run_scoped3A : memref<!tpu.dma_semaphore, #tpu.memory_space<semaphore_mem>>)
        %dma_wait3A_46 = arith.constant 0 : i32
        %dma_wait3A_47 = tpu.memref_slice %arg3[%add3A_29, %dma_wait3A_46] : memref<2560x128xi32, #tpu.memory_space<hbm>> -> memref<1x128xi32, #tpu.memory_space<hbm>>
        %dma_wait3A_48 = tpu.memref_squeeze %dma_wait3A_47 : memref<1x128xi32, #tpu.memory_space<hbm>> -> memref<128xi32, #tpu.memory_space<hbm>>
        %dma_wait3A_49 = arith.constant 0 : i32
        %dma_wait3A_50 = tpu.memref_slice %arg3[%add3A_29, %dma_wait3A_49] : memref<2560x128xi32, #tpu.memory_space<hbm>> -> memref<1x128xi32, #tpu.memory_space<hbm>>
        %dma_wait3A_51 = tpu.memref_squeeze %dma_wait3A_50 : memref<1x128xi32, #tpu.memory_space<hbm>> -> memref<128xi32, #tpu.memory_space<hbm>>
        tpu.wait_dma2 semaphore(%run_scoped3A : memref<!tpu.dma_semaphore, #tpu.memory_space<semaphore_mem>>) src(%dma_wait3A_51 : memref<128xi32, #tpu.memory_space<hbm>>) dst(%arg11 : memref<128xi32, #tpu.memory_space<vmem>>)
        tpu.yield
      }) : () -> ()
      %add3A_30 = arith.constant 1 : i32
      %add3A_31 = arith.addi %add3A_25, %add3A_30 : i32
      "tpu.region"() ({
        %run_scoped3A = tpu.sem_alloc : memref<!tpu.dma_semaphore, #tpu.memory_space<semaphore_mem>>
        %dma_start3A_40 = arith.constant 0 : i32
        %dma_start3A_41 = tpu.memref_slice %arg4[%add3A_31, %dma_start3A_40] : memref<2560x128xi32, #tpu.memory_space<hbm>> -> memref<1x128xi32, #tpu.memory_space<hbm>>
        %dma_start3A_42 = tpu.memref_squeeze %dma_start3A_41 : memref<1x128xi32, #tpu.memory_space<hbm>> -> memref<128xi32, #tpu.memory_space<hbm>>
        %dma_start3A_43 = arith.constant 0 : i32
        %dma_start3A_44 = tpu.memref_slice %arg4[%add3A_31, %dma_start3A_43] : memref<2560x128xi32, #tpu.memory_space<hbm>> -> memref<1x128xi32, #tpu.memory_space<hbm>>
        %dma_start3A_45 = tpu.memref_squeeze %dma_start3A_44 : memref<1x128xi32, #tpu.memory_space<hbm>> -> memref<128xi32, #tpu.memory_space<hbm>>
        tpu.enqueue_dma source(%dma_start3A_45 : memref<128xi32, #tpu.memory_space<hbm>>) target(%arg13 : memref<128xi32, #tpu.memory_space<vmem>>) target_semaphore(%run_scoped3A : memref<!tpu.dma_semaphore, #tpu.memory_space<semaphore_mem>>)
        %dma_wait3A_46 = arith.constant 0 : i32
        %dma_wait3A_47 = tpu.memref_slice %arg4[%add3A_31, %dma_wait3A_46] : memref<2560x128xi32, #tpu.memory_space<hbm>> -> memref<1x128xi32, #tpu.memory_space<hbm>>
        %dma_wait3A_48 = tpu.memref_squeeze %dma_wait3A_47 : memref<1x128xi32, #tpu.memory_space<hbm>> -> memref<128xi32, #tpu.memory_space<hbm>>
        %dma_wait3A_49 = arith.constant 0 : i32
        %dma_wait3A_50 = tpu.memref_slice %arg4[%add3A_31, %dma_wait3A_49] : memref<2560x128xi32, #tpu.memory_space<hbm>> -> memref<1x128xi32, #tpu.memory_space<hbm>>
        %dma_wait3A_51 = tpu.memref_squeeze %dma_wait3A_50 : memref<1x128xi32, #tpu.memory_space<hbm>> -> memref<128xi32, #tpu.memory_space<hbm>>
        tpu.wait_dma2 semaphore(%run_scoped3A : memref<!tpu.dma_semaphore, #tpu.memory_space<semaphore_mem>>) src(%dma_wait3A_51 : memref<128xi32, #tpu.memory_space<hbm>>) dst(%arg13 : memref<128xi32, #tpu.memory_space<vmem>>)
        tpu.yield
      }) : () -> ()
      %dma_start3A_32 = arith.constant 0 : i32
      %dma_start3A_33 = arith.constant 0 : i32
      %dma_start3A_34 = tpu.memref_slice %arg2[%dma_start3A_32, %dma_start3A_33] : memref<10240x128xf32, #tpu.memory_space<hbm>> -> memref<10240x128xf32, #tpu.memory_space<hbm>>
      tpu.enqueue_indirect_dma source(%dma_start3A_34 : memref<10240x128xf32, #tpu.memory_space<hbm>>) target(%arg8 : memref<128x128xf32, #tpu.memory_space<vmem>>) offsets(%arg11 : memref<128xi32, #tpu.memory_space<vmem>>) semaphore(%arg15 : memref<!tpu.dma_semaphore, #tpu.memory_space<semaphore_mem>>)
      %dma_wait3A = arith.constant 0 : i32
      %dma_wait3A_35 = arith.constant 0 : i32
      %dma_wait3A_36 = tpu.memref_slice %arg2[%dma_wait3A, %dma_wait3A_35] : memref<10240x128xf32, #tpu.memory_space<hbm>> -> memref<10240x128xf32, #tpu.memory_space<hbm>>
      tpu.wait_indirect_dma semaphore(%arg14 : memref<!tpu.dma_semaphore, #tpu.memory_space<semaphore_mem>>) src(%dma_wait3A_36 : memref<10240x128xf32, #tpu.memory_space<hbm>>) dst(%arg7 : memref<128x128xf32, #tpu.memory_space<vmem>>)
      "tpu.region"() ({
        %run_scoped3A = tpu.sem_alloc : memref<!tpu.dma_semaphore, #tpu.memory_space<semaphore_mem>>
        %dma_start3A_40 = arith.constant 0 : i32
        %dma_start3A_41 = arith.constant 0 : i32
        %dma_start3A_42 = tpu.memref_slice %arg6[%dma_start3A_40, %dma_start3A_41] : memref<10240x128xf32, #tpu.memory_space<vmem_shared>> -> memref<10240x128xf32, #tpu.memory_space<vmem_shared>>
        tpu.enqueue_indirect_dma source(%arg7 : memref<128x128xf32, #tpu.memory_space<vmem>>) target(%dma_start3A_42 : memref<10240x128xf32, #tpu.memory_space<vmem_shared>>) offsets(%arg12 : memref<128xi32, #tpu.memory_space<vmem>>) semaphore(%run_scoped3A : memref<!tpu.dma_semaphore, #tpu.memory_space<semaphore_mem>>) {add = true}
        %dma_wait3A_43 = arith.constant 0 : i32
        %dma_wait3A_44 = arith.constant 0 : i32
        %dma_wait3A_45 = tpu.memref_slice %arg6[%dma_wait3A_43, %dma_wait3A_44] : memref<10240x128xf32, #tpu.memory_space<vmem_shared>> -> memref<10240x128xf32, #tpu.memory_space<vmem_shared>>
        tpu.wait_indirect_dma semaphore(%run_scoped3A : memref<!tpu.dma_semaphore, #tpu.memory_space<semaphore_mem>>) src(%arg7 : memref<128x128xf32, #tpu.memory_space<vmem>>) dst(%dma_wait3A_45 : memref<10240x128xf32, #tpu.memory_space<vmem_shared>>)
        tpu.yield
      }) : () -> ()
      %dma_wait3A_37 = arith.constant 0 : i32
      %dma_wait3A_38 = arith.constant 0 : i32
      %dma_wait3A_39 = tpu.memref_slice %arg2[%dma_wait3A_37, %dma_wait3A_38] : memref<10240x128xf32, #tpu.memory_space<hbm>> -> memref<10240x128xf32, #tpu.memory_space<hbm>>
      tpu.wait_indirect_dma semaphore(%arg15 : memref<!tpu.dma_semaphore, #tpu.memory_space<semaphore_mem>>) src(%dma_wait3A_39 : memref<10240x128xf32, #tpu.memory_space<hbm>>) dst(%arg8 : memref<128x128xf32, #tpu.memory_space<vmem>>)
      "tpu.region"() ({
        %run_scoped3A = tpu.sem_alloc : memref<!tpu.dma_semaphore, #tpu.memory_space<semaphore_mem>>
        %dma_start3A_40 = arith.constant 0 : i32
        %dma_start3A_41 = arith.constant 0 : i32
        %dma_start3A_42 = tpu.memref_slice %arg6[%dma_start3A_40, %dma_start3A_41] : memref<10240x128xf32, #tpu.memory_space<vmem_shared>> -> memref<10240x128xf32, #tpu.memory_space<vmem_shared>>
        tpu.enqueue_indirect_dma source(%arg8 : memref<128x128xf32, #tpu.memory_space<vmem>>) target(%dma_start3A_42 : memref<10240x128xf32, #tpu.memory_space<vmem_shared>>) offsets(%arg13 : memref<128xi32, #tpu.memory_space<vmem>>) semaphore(%run_scoped3A : memref<!tpu.dma_semaphore, #tpu.memory_space<semaphore_mem>>) {add = true}
        %dma_wait3A_43 = arith.constant 0 : i32
        %dma_wait3A_44 = arith.constant 0 : i32
        %dma_wait3A_45 = tpu.memref_slice %arg6[%dma_wait3A_43, %dma_wait3A_44] : memref<10240x128xf32, #tpu.memory_space<vmem_shared>> -> memref<10240x128xf32, #tpu.memory_space<vmem_shared>>
        tpu.wait_indirect_dma semaphore(%run_scoped3A : memref<!tpu.dma_semaphore, #tpu.memory_space<semaphore_mem>>) src(%arg8 : memref<128x128xf32, #tpu.memory_space<vmem>>) dst(%dma_wait3A_45 : memref<10240x128xf32, #tpu.memory_space<vmem_shared>>)
        tpu.yield
      }) : () -> ()
    }
    %scan3A_16 = arith.constant 40 : i32
    %barrier3A_17 = arith.constant 0 : index
    tpu.barrier barrier_id(%barrier3A_17)
    "tpu.region"() ({
      %run_scoped3A = tpu.sem_alloc : memref<!tpu.dma_semaphore, #tpu.memory_space<semaphore_mem>>
      %dma_start3A = arith.constant 0 : i32
      %dma_start3A_18 = arith.constant 0 : i32
      %dma_start3A_19 = tpu.memref_slice %arg5[%arg0, %dma_start3A, %dma_start3A_18] : memref<2x10240x128xf32, #tpu.memory_space<hbm>> -> memref<1x10240x128xf32, #tpu.memory_space<hbm>>
      %dma_start3A_20 = tpu.memref_squeeze %dma_start3A_19 : memref<1x10240x128xf32, #tpu.memory_space<hbm>> -> memref<10240x128xf32, #tpu.memory_space<hbm>>
      %dma_start3A_21 = arith.constant 0 : i32
      %dma_start3A_22 = tpu.memref_slice %dma_start3A_20[%mul3A_2, %dma_start3A_21] : memref<10240x128xf32, #tpu.memory_space<hbm>> -> memref<640x128xf32, #tpu.memory_space<hbm>>
      %dma_start3A_23 = arith.constant 0 : i32
      %dma_start3A_24 = tpu.memref_slice %arg6[%mul3A_2, %dma_start3A_23] : memref<10240x128xf32, #tpu.memory_space<vmem_shared>> -> memref<640x128xf32, #tpu.memory_space<vmem_shared>>
      tpu.enqueue_dma source(%dma_start3A_24 : memref<640x128xf32, #tpu.memory_space<vmem_shared>>) target(%dma_start3A_22 : memref<640x128xf32, #tpu.memory_space<hbm>>) target_semaphore(%run_scoped3A : memref<!tpu.dma_semaphore, #tpu.memory_space<semaphore_mem>>)
      %dma_wait3A = arith.constant 0 : i32
      %dma_wait3A_25 = arith.constant 0 : i32
      %dma_wait3A_26 = tpu.memref_slice %arg5[%arg0, %dma_wait3A, %dma_wait3A_25] : memref<2x10240x128xf32, #tpu.memory_space<hbm>> -> memref<1x10240x128xf32, #tpu.memory_space<hbm>>
      %dma_wait3A_27 = tpu.memref_squeeze %dma_wait3A_26 : memref<1x10240x128xf32, #tpu.memory_space<hbm>> -> memref<10240x128xf32, #tpu.memory_space<hbm>>
      %dma_wait3A_28 = arith.constant 0 : i32
      %dma_wait3A_29 = tpu.memref_slice %dma_wait3A_27[%mul3A_2, %dma_wait3A_28] : memref<10240x128xf32, #tpu.memory_space<hbm>> -> memref<640x128xf32, #tpu.memory_space<hbm>>
      %dma_wait3A_30 = arith.constant 0 : i32
      %dma_wait3A_31 = tpu.memref_slice %arg6[%mul3A_2, %dma_wait3A_30] : memref<10240x128xf32, #tpu.memory_space<vmem_shared>> -> memref<640x128xf32, #tpu.memory_space<vmem_shared>>
      tpu.wait_dma2 semaphore(%run_scoped3A : memref<!tpu.dma_semaphore, #tpu.memory_space<semaphore_mem>>) src(%dma_wait3A_31 : memref<640x128xf32, #tpu.memory_space<vmem_shared>>) dst(%dma_wait3A_29 : memref<640x128xf32, #tpu.memory_space<hbm>>)
      tpu.yield
    }) : () -> ()
    return
  }
}

#map = affine_map<(d0, d1) -> (0, 0)>
#map1 = affine_map<(d0, d1) -> (0, 0, 0)>
module attributes {stable_mosaic.version = 14 : i64} {
  func.func @k(%arg0: i32, %arg1: i32, %arg2: memref<10240x128xf32, #tpu.memory_space<hbm>>, %arg3: memref<2560x128xi32, #tpu.memory_space<hbm>>, %arg4: memref<2560x128xi32, #tpu.memory_space<hbm>>, %arg5: memref<2x10240x128xf32, #tpu.memory_space<hbm>>, %arg6: memref<10240x128xf32, #tpu.memory_space<vmem_shared>>, %arg7: memref<128x128xf32, #tpu.memory_space<vmem>>, %arg8: memref<128x128xf32, #tpu.memory_space<vmem>>, %arg9: memref<16x128xf32, #tpu.memory_space<vmem>>, %arg10: memref<128xi32, #tpu.memory_space<vmem>>, %arg11: memref<128xi32, #tpu.memory_space<vmem>>, %arg12: memref<128xi32, #tpu.memory_space<vmem>>, %arg13: memref<128xi32, #tpu.memory_space<vmem>>, %arg14: memref<!tpu.dma_semaphore, #tpu.memory_space<semaphore_mem>>, %arg15: memref<!tpu.dma_semaphore, #tpu.memory_space<semaphore_mem>>) attributes {dimension_semantics = [#tpu.dimension_semantics<core_parallel>, #tpu.dimension_semantics<subcore_parallel>], iteration_bounds = array<i64: 2, 16>, scalar_prefetch = 0 : i64, scratch_operands = 10 : i64, tpu.core_type = #tpu.core_type<sc_vector_subcore>, window_params = [{transform_indices = #map}, {transform_indices = #map}, {transform_indices = #map}, {transform_indices = #map1}]} {
    %mul3A = arith.constant 16 : i32
    %mul3A_0 = arith.muli %arg0, %mul3A : i32
    %add3A = arith.addi %mul3A_0, %arg1 : i32
    %mul3A_1 = arith.constant 640 : i32
    %mul3A_2 = arith.muli %arg1, %mul3A_1 : i32
    %scan3A = arith.constant 0 : i32
    %scan3A_3 = arith.constant 16 : i32
    %scan3A_4 = arith.addi %scan3A, %scan3A_3 : i32
    %scan3A_5 = arith.constant 1 : i32
    scf.for %scan3A_18 = %scan3A to %scan3A_4 step %scan3A_5  : i32 {
      %mul3A_19 = arith.constant 1 : i32
      %mul3A_20 = arith.muli %scan3A_18, %mul3A_19 : i32
      %add3A_21 = arith.constant 0 : i32
      %add3A_22 = arith.addi %add3A_21, %mul3A_20 : i32
      %scan3A_23 = arith.constant 0 : i32
      %scan3A_24 = arith.constant 8 : i32
      %scan3A_25 = arith.addi %scan3A_23, %scan3A_24 : i32
      %scan3A_26 = arith.constant 1 : i32
      scf.for %scan3A_28 = %scan3A_23 to %scan3A_25 step %scan3A_26  : i32 {
        %mul3A_29 = arith.constant 1 : i32
        %mul3A_30 = arith.muli %scan3A_28, %mul3A_29 : i32
        %add3A_31 = arith.constant 0 : i32
        %add3A_32 = arith.addi %add3A_31, %mul3A_30 : i32
        %broadcast_in_dim3A = arith.constant 0.000000e+00 : f32
        %broadcast_in_dim3A_33 = vector.broadcast %broadcast_in_dim3A : f32 to vector<1x16xf32>
        %mul3A_34 = arith.constant 16 : i32
        %mul3A_35 = arith.muli %add3A_32, %mul3A_34 : i32
        %swap3A = arith.index_cast %add3A_22 : i32 to index
        %swap3A_36 = arith.index_cast %mul3A_35 : i32 to index
        %swap3A_37 = tpu.vector_load %arg9[%swap3A, %swap3A_36] {strides = array<i32>} : memref<16x128xf32, #tpu.memory_space<vmem>>, vector<1x16xf32>,
        %swap3A_38 = vector.shape_cast %swap3A_37 : vector<1x16xf32> to vector<1x16xf32>
        %swap3A_39 = vector.shape_cast %broadcast_in_dim3A_33 : vector<1x16xf32> to vector<1x16xf32>
        tpu.vector_store %arg9[%swap3A, %swap3A_36], %swap3A_39 {strides = array<i32>} : memref<16x128xf32, #tpu.memory_space<vmem>>, vector<1x16xf32>,
      }
      %scan3A_27 = arith.constant 8 : i32
    }
    %scan3A_6 = arith.constant 16 : i32
    %scan3A_7 = arith.constant 0 : i32
    %scan3A_8 = arith.constant 40 : i32
    %scan3A_9 = arith.addi %scan3A_7, %scan3A_8 : i32
    %scan3A_10 = arith.constant 1 : i32
    scf.for %scan3A_18 = %scan3A_7 to %scan3A_9 step %scan3A_10  : i32 {
      %mul3A_19 = arith.constant 1 : i32
      %mul3A_20 = arith.muli %scan3A_18, %mul3A_19 : i32
      %add3A_21 = arith.constant 0 : i32
      %add3A_22 = arith.addi %add3A_21, %mul3A_20 : i32
      %mul3A_23 = arith.constant 16 : i32
      %mul3A_24 = arith.muli %add3A_22, %mul3A_23 : i32
      %add3A_25 = arith.addi %mul3A_2, %mul3A_24 : i32
      "tpu.region"() ({
        %run_scoped3A = tpu.sem_alloc : memref<!tpu.dma_semaphore, #tpu.memory_space<semaphore_mem>>
        %dma_start3A = arith.constant 0 : i32
        %dma_start3A_26 = tpu.memref_slice %arg6[%add3A_25, %dma_start3A] : memref<10240x128xf32, #tpu.memory_space<vmem_shared>> -> memref<16x128xf32, #tpu.memory_space<vmem_shared>>
        %dma_start3A_27 = arith.constant 0 : i32
        %dma_start3A_28 = tpu.memref_slice %arg6[%add3A_25, %dma_start3A_27] : memref<10240x128xf32, #tpu.memory_space<vmem_shared>> -> memref<16x128xf32, #tpu.memory_space<vmem_shared>>
        tpu.enqueue_dma source(%arg9 : memref<16x128xf32, #tpu.memory_space<vmem>>) target(%dma_start3A_28 : memref<16x128xf32, #tpu.memory_space<vmem_shared>>) target_semaphore(%run_scoped3A : memref<!tpu.dma_semaphore, #tpu.memory_space<semaphore_mem>>)
        %dma_wait3A = arith.constant 0 : i32
        %dma_wait3A_29 = tpu.memref_slice %arg6[%add3A_25, %dma_wait3A] : memref<10240x128xf32, #tpu.memory_space<vmem_shared>> -> memref<16x128xf32, #tpu.memory_space<vmem_shared>>
        %dma_wait3A_30 = arith.constant 0 : i32
        %dma_wait3A_31 = tpu.memref_slice %arg6[%add3A_25, %dma_wait3A_30] : memref<10240x128xf32, #tpu.memory_space<vmem_shared>> -> memref<16x128xf32, #tpu.memory_space<vmem_shared>>
        tpu.wait_dma2 semaphore(%run_scoped3A : memref<!tpu.dma_semaphore, #tpu.memory_space<semaphore_mem>>) src(%arg9 : memref<16x128xf32, #tpu.memory_space<vmem>>) dst(%dma_wait3A_31 : memref<16x128xf32, #tpu.memory_space<vmem_shared>>)
        tpu.yield
      }) : () -> ()
    }
    %scan3A_11 = arith.constant 40 : i32
    %barrier3A = arith.constant 0 : index
    tpu.barrier barrier_id(%barrier3A)
    %scan3A_12 = arith.constant 0 : i32
    %scan3A_13 = arith.constant 40 : i32
    %scan3A_14 = arith.addi %scan3A_12, %scan3A_13 : i32
    %scan3A_15 = arith.constant 1 : i32
    scf.for %scan3A_18 = %scan3A_12 to %scan3A_14 step %scan3A_15  : i32 {
      %mul3A_19 = arith.constant 2 : i32
      %mul3A_20 = arith.muli %scan3A_18, %mul3A_19 : i32
      %add3A_21 = arith.constant 0 : i32
      %add3A_22 = arith.addi %add3A_21, %mul3A_20 : i32
      %mul3A_23 = arith.constant 80 : i32
      %mul3A_24 = arith.muli %add3A, %mul3A_23 : i32
      %add3A_25 = arith.addi %mul3A_24, %add3A_22 : i32
      "tpu.region"() ({
        %run_scoped3A = tpu.sem_alloc : memref<!tpu.dma_semaphore, #tpu.memory_space<semaphore_mem>>
        %dma_start3A_40 = arith.constant 0 : i32
        %dma_start3A_41 = tpu.memref_slice %arg3[%add3A_25, %dma_start3A_40] : memref<2560x128xi32, #tpu.memory_space<hbm>> -> memref<1x128xi32, #tpu.memory_space<hbm>>
        %dma_start3A_42 = tpu.memref_squeeze %dma_start3A_41 : memref<1x128xi32, #tpu.memory_space<hbm>> -> memref<128xi32, #tpu.memory_space<hbm>>
        %dma_start3A_43 = arith.constant 0 : i32
        %dma_start3A_44 = tpu.memref_slice %arg3[%add3A_25, %dma_start3A_43] : memref<2560x128xi32, #tpu.memory_space<hbm>> -> memref<1x128xi32, #tpu.memory_space<hbm>>
        %dma_start3A_45 = tpu.memref_squeeze %dma_start3A_44 : memref<1x128xi32, #tpu.memory_space<hbm>> -> memref<128xi32, #tpu.memory_space<hbm>>
        tpu.enqueue_dma source(%dma_start3A_45 : memref<128xi32, #tpu.memory_space<hbm>>) target(%arg10 : memref<128xi32, #tpu.memory_space<vmem>>) target_semaphore(%run_scoped3A : memref<!tpu.dma_semaphore, #tpu.memory_space<semaphore_mem>>)
        %dma_wait3A_46 = arith.constant 0 : i32
        %dma_wait3A_47 = tpu.memref_slice %arg3[%add3A_25, %dma_wait3A_46] : memref<2560x128xi32, #tpu.memory_space<hbm>> -> memref<1x128xi32, #tpu.memory_space<hbm>>
        %dma_wait3A_48 = tpu.memref_squeeze %dma_wait3A_47 : memref<1x128xi32, #tpu.memory_space<hbm>> -> memref<128xi32, #tpu.memory_space<hbm>>
        %dma_wait3A_49 = arith.constant 0 : i32
        %dma_wait3A_50 = tpu.memref_slice %arg3[%add3A_25, %dma_wait3A_49] : memref<2560x128xi32, #tpu.memory_space<hbm>> -> memref<1x128xi32, #tpu.memory_space<hbm>>
        %dma_wait3A_51 = tpu.memref_squeeze %dma_wait3A_50 : memref<1x128xi32, #tpu.memory_space<hbm>> -> memref<128xi32, #tpu.memory_space<hbm>>
        tpu.wait_dma2 semaphore(%run_scoped3A : memref<!tpu.dma_semaphore, #tpu.memory_space<semaphore_mem>>) src(%dma_wait3A_51 : memref<128xi32, #tpu.memory_space<hbm>>) dst(%arg10 : memref<128xi32, #tpu.memory_space<vmem>>)
        tpu.yield
      }) : () -> ()
      "tpu.region"() ({
        %run_scoped3A = tpu.sem_alloc : memref<!tpu.dma_semaphore, #tpu.memory_space<semaphore_mem>>
        %dma_start3A_40 = arith.constant 0 : i32
        %dma_start3A_41 = tpu.memref_slice %arg4[%add3A_25, %dma_start3A_40] : memref<2560x128xi32, #tpu.memory_space<hbm>> -> memref<1x128xi32, #tpu.memory_space<hbm>>
        %dma_start3A_42 = tpu.memref_squeeze %dma_start3A_41 : memref<1x128xi32, #tpu.memory_space<hbm>> -> memref<128xi32, #tpu.memory_space<hbm>>
        %dma_start3A_43 = arith.constant 0 : i32
        %dma_start3A_44 = tpu.memref_slice %arg4[%add3A_25, %dma_start3A_43] : memref<2560x128xi32, #tpu.memory_space<hbm>> -> memref<1x128xi32, #tpu.memory_space<hbm>>
        %dma_start3A_45 = tpu.memref_squeeze %dma_start3A_44 : memref<1x128xi32, #tpu.memory_space<hbm>> -> memref<128xi32, #tpu.memory_space<hbm>>
        tpu.enqueue_dma source(%dma_start3A_45 : memref<128xi32, #tpu.memory_space<hbm>>) target(%arg12 : memref<128xi32, #tpu.memory_space<vmem>>) target_semaphore(%run_scoped3A : memref<!tpu.dma_semaphore, #tpu.memory_space<semaphore_mem>>)
        %dma_wait3A_46 = arith.constant 0 : i32
        %dma_wait3A_47 = tpu.memref_slice %arg4[%add3A_25, %dma_wait3A_46] : memref<2560x128xi32, #tpu.memory_space<hbm>> -> memref<1x128xi32, #tpu.memory_space<hbm>>
        %dma_wait3A_48 = tpu.memref_squeeze %dma_wait3A_47 : memref<1x128xi32, #tpu.memory_space<hbm>> -> memref<128xi32, #tpu.memory_space<hbm>>
        %dma_wait3A_49 = arith.constant 0 : i32
        %dma_wait3A_50 = tpu.memref_slice %arg4[%add3A_25, %dma_wait3A_49] : memref<2560x128xi32, #tpu.memory_space<hbm>> -> memref<1x128xi32, #tpu.memory_space<hbm>>
        %dma_wait3A_51 = tpu.memref_squeeze %dma_wait3A_50 : memref<1x128xi32, #tpu.memory_space<hbm>> -> memref<128xi32, #tpu.memory_space<hbm>>
        tpu.wait_dma2 semaphore(%run_scoped3A : memref<!tpu.dma_semaphore, #tpu.memory_space<semaphore_mem>>) src(%dma_wait3A_51 : memref<128xi32, #tpu.memory_space<hbm>>) dst(%arg12 : memref<128xi32, #tpu.memory_space<vmem>>)
        tpu.yield
      }) : () -> ()
      %dma_start3A = arith.constant 0 : i32
      %dma_start3A_26 = arith.constant 0 : i32
      %dma_start3A_27 = tpu.memref_slice %arg2[%dma_start3A, %dma_start3A_26] : memref<10240x128xf32, #tpu.memory_space<hbm>> -> memref<10240x128xf32, #tpu.memory_space<hbm>>
      tpu.enqueue_indirect_dma source(%dma_start3A_27 : memref<10240x128xf32, #tpu.memory_space<hbm>>) target(%arg7 : memref<128x128xf32, #tpu.memory_space<vmem>>) offsets(%arg10 : memref<128xi32, #tpu.memory_space<vmem>>) semaphore(%arg14 : memref<!tpu.dma_semaphore, #tpu.memory_space<semaphore_mem>>)
      %add3A_28 = arith.constant 1 : i32
      %add3A_29 = arith.addi %add3A_25, %add3A_28 : i32
      "tpu.region"() ({
        %run_scoped3A = tpu.sem_alloc : memref<!tpu.dma_semaphore, #tpu.memory_space<semaphore_mem>>
        %dma_start3A_40 = arith.constant 0 : i32
        %dma_start3A_41 = tpu.memref_slice %arg3[%add3A_29, %dma_start3A_40] : memref<2560x128xi32, #tpu.memory_space<hbm>> -> memref<1x128xi32, #tpu.memory_space<hbm>>
        %dma_start3A_42 = tpu.memref_squeeze %dma_start3A_41 : memref<1x128xi32, #tpu.memory_space<hbm>> -> memref<128xi32, #tpu.memory_space<hbm>>
        %dma_start3A_43 = arith.constant 0 : i32
        %dma_start3A_44 = tpu.memref_slice %arg3[%add3A_29, %dma_start3A_43] : memref<2560x128xi32, #tpu.memory_space<hbm>> -> memref<1x128xi32, #tpu.memory_space<hbm>>
        %dma_start3A_45 = tpu.memref_squeeze %dma_start3A_44 : memref<1x128xi32, #tpu.memory_space<hbm>> -> memref<128xi32, #tpu.memory_space<hbm>>
        tpu.enqueue_dma source(%dma_start3A_45 : memref<128xi32, #tpu.memory_space<hbm>>) target(%arg11 : memref<128xi32, #tpu.memory_space<vmem>>) target_semaphore(%run_scoped3A : memref<!tpu.dma_semaphore, #tpu.memory_space<semaphore_mem>>)
        %dma_wait3A_46 = arith.constant 0 : i32
        %dma_wait3A_47 = tpu.memref_slice %arg3[%add3A_29, %dma_wait3A_46] : memref<2560x128xi32, #tpu.memory_space<hbm>> -> memref<1x128xi32, #tpu.memory_space<hbm>>
        %dma_wait3A_48 = tpu.memref_squeeze %dma_wait3A_47 : memref<1x128xi32, #tpu.memory_space<hbm>> -> memref<128xi32, #tpu.memory_space<hbm>>
        %dma_wait3A_49 = arith.constant 0 : i32
        %dma_wait3A_50 = tpu.memref_slice %arg3[%add3A_29, %dma_wait3A_49] : memref<2560x128xi32, #tpu.memory_space<hbm>> -> memref<1x128xi32, #tpu.memory_space<hbm>>
        %dma_wait3A_51 = tpu.memref_squeeze %dma_wait3A_50 : memref<1x128xi32, #tpu.memory_space<hbm>> -> memref<128xi32, #tpu.memory_space<hbm>>
        tpu.wait_dma2 semaphore(%run_scoped3A : memref<!tpu.dma_semaphore, #tpu.memory_space<semaphore_mem>>) src(%dma_wait3A_51 : memref<128xi32, #tpu.memory_space<hbm>>) dst(%arg11 : memref<128xi32, #tpu.memory_space<vmem>>)
        tpu.yield
      }) : () -> ()
      %add3A_30 = arith.constant 1 : i32
      %add3A_31 = arith.addi %add3A_25, %add3A_30 : i32
      "tpu.region"() ({
        %run_scoped3A = tpu.sem_alloc : memref<!tpu.dma_semaphore, #tpu.memory_space<semaphore_mem>>
        %dma_start3A_40 = arith.constant 0 : i32
        %dma_start3A_41 = tpu.memref_slice %arg4[%add3A_31, %dma_start3A_40] : memref<2560x128xi32, #tpu.memory_space<hbm>> -> memref<1x128xi32, #tpu.memory_space<hbm>>
        %dma_start3A_42 = tpu.memref_squeeze %dma_start3A_41 : memref<1x128xi32, #tpu.memory_space<hbm>> -> memref<128xi32, #tpu.memory_space<hbm>>
        %dma_start3A_43 = arith.constant 0 : i32
        %dma_start3A_44 = tpu.memref_slice %arg4[%add3A_31, %dma_start3A_43] : memref<2560x128xi32, #tpu.memory_space<hbm>> -> memref<1x128xi32, #tpu.memory_space<hbm>>
        %dma_start3A_45 = tpu.memref_squeeze %dma_start3A_44 : memref<1x128xi32, #tpu.memory_space<hbm>> -> memref<128xi32, #tpu.memory_space<hbm>>
        tpu.enqueue_dma source(%dma_start3A_45 : memref<128xi32, #tpu.memory_space<hbm>>) target(%arg13 : memref<128xi32, #tpu.memory_space<vmem>>) target_semaphore(%run_scoped3A : memref<!tpu.dma_semaphore, #tpu.memory_space<semaphore_mem>>)
        %dma_wait3A_46 = arith.constant 0 : i32
        %dma_wait3A_47 = tpu.memref_slice %arg4[%add3A_31, %dma_wait3A_46] : memref<2560x128xi32, #tpu.memory_space<hbm>> -> memref<1x128xi32, #tpu.memory_space<hbm>>
        %dma_wait3A_48 = tpu.memref_squeeze %dma_wait3A_47 : memref<1x128xi32, #tpu.memory_space<hbm>> -> memref<128xi32, #tpu.memory_space<hbm>>
        %dma_wait3A_49 = arith.constant 0 : i32
        %dma_wait3A_50 = tpu.memref_slice %arg4[%add3A_31, %dma_wait3A_49] : memref<2560x128xi32, #tpu.memory_space<hbm>> -> memref<1x128xi32, #tpu.memory_space<hbm>>
        %dma_wait3A_51 = tpu.memref_squeeze %dma_wait3A_50 : memref<1x128xi32, #tpu.memory_space<hbm>> -> memref<128xi32, #tpu.memory_space<hbm>>
        tpu.wait_dma2 semaphore(%run_scoped3A : memref<!tpu.dma_semaphore, #tpu.memory_space<semaphore_mem>>) src(%dma_wait3A_51 : memref<128xi32, #tpu.memory_space<hbm>>) dst(%arg13 : memref<128xi32, #tpu.memory_space<vmem>>)
        tpu.yield
      }) : () -> ()
      %dma_start3A_32 = arith.constant 0 : i32
      %dma_start3A_33 = arith.constant 0 : i32
      %dma_start3A_34 = tpu.memref_slice %arg2[%dma_start3A_32, %dma_start3A_33] : memref<10240x128xf32, #tpu.memory_space<hbm>> -> memref<10240x128xf32, #tpu.memory_space<hbm>>
      tpu.enqueue_indirect_dma source(%dma_start3A_34 : memref<10240x128xf32, #tpu.memory_space<hbm>>) target(%arg8 : memref<128x128xf32, #tpu.memory_space<vmem>>) offsets(%arg11 : memref<128xi32, #tpu.memory_space<vmem>>) semaphore(%arg15 : memref<!tpu.dma_semaphore, #tpu.memory_space<semaphore_mem>>)
      %dma_wait3A = arith.constant 0 : i32
      %dma_wait3A_35 = arith.constant 0 : i32
      %dma_wait3A_36 = tpu.memref_slice %arg2[%dma_wait3A, %dma_wait3A_35] : memref<10240x128xf32, #tpu.memory_space<hbm>> -> memref<10240x128xf32, #tpu.memory_space<hbm>>
      tpu.wait_indirect_dma semaphore(%arg14 : memref<!tpu.dma_semaphore, #tpu.memory_space<semaphore_mem>>) src(%dma_wait3A_36 : memref<10240x128xf32, #tpu.memory_space<hbm>>) dst(%arg7 : memref<128x128xf32, #tpu.memory_space<vmem>>)
      "tpu.region"() ({
        %run_scoped3A = tpu.sem_alloc : memref<!tpu.dma_semaphore, #tpu.memory_space<semaphore_mem>>
        %dma_start3A_40 = arith.constant 0 : i32
        %dma_start3A_41 = arith.constant 0 : i32
        %dma_start3A_42 = tpu.memref_slice %arg6[%dma_start3A_40, %dma_start3A_41] : memref<10240x128xf32, #tpu.memory_space<vmem_shared>> -> memref<10240x128xf32, #tpu.memory_space<vmem_shared>>
        tpu.enqueue_indirect_dma source(%arg7 : memref<128x128xf32, #tpu.memory_space<vmem>>) target(%dma_start3A_42 : memref<10240x128xf32, #tpu.memory_space<vmem_shared>>) offsets(%arg12 : memref<128xi32, #tpu.memory_space<vmem>>) semaphore(%run_scoped3A : memref<!tpu.dma_semaphore, #tpu.memory_space<semaphore_mem>>) {add = true}
        %dma_wait3A_43 = arith.constant 0 : i32
        %dma_wait3A_44 = arith.constant 0 : i32
        %dma_wait3A_45 = tpu.memref_slice %arg6[%dma_wait3A_43, %dma_wait3A_44] : memref<10240x128xf32, #tpu.memory_space<vmem_shared>> -> memref<10240x128xf32, #tpu.memory_space<vmem_shared>>
        tpu.wait_indirect_dma semaphore(%run_scoped3A : memref<!tpu.dma_semaphore, #tpu.memory_space<semaphore_mem>>) src(%arg7 : memref<128x128xf32, #tpu.memory_space<vmem>>) dst(%dma_wait3A_45 : memref<10240x128xf32, #tpu.memory_space<vmem_shared>>)
        tpu.yield
      }) : () -> ()
      %dma_wait3A_37 = arith.constant 0 : i32
      %dma_wait3A_38 = arith.constant 0 : i32
      %dma_wait3A_39 = tpu.memref_slice %arg2[%dma_wait3A_37, %dma_wait3A_38] : memref<10240x128xf32, #tpu.memory_space<hbm>> -> memref<10240x128xf32, #tpu.memory_space<hbm>>
      tpu.wait_indirect_dma semaphore(%arg15 : memref<!tpu.dma_semaphore, #tpu.memory_space<semaphore_mem>>) src(%dma_wait3A_39 : memref<10240x128xf32, #tpu.memory_space<hbm>>) dst(%arg8 : memref<128x128xf32, #tpu.memory_space<vmem>>)
      "tpu.region"() ({
        %run_scoped3A = tpu.sem_alloc : memref<!tpu.dma_semaphore, #tpu.memory_space<semaphore_mem>>
        %dma_start3A_40 = arith.constant 0 : i32
        %dma_start3A_41 = arith.constant 0 : i32
        %dma_start3A_42 = tpu.memref_slice %arg6[%dma_start3A_40, %dma_start3A_41] : memref<10240x128xf32, #tpu.memory_space<vmem_shared>> -> memref<10240x128xf32, #tpu.memory_space<vmem_shared>>
        tpu.enqueue_indirect_dma source(%arg8 : memref<128x128xf32, #tpu.memory_space<vmem>>) target(%dma_start3A_42 : memref<10240x128xf32, #tpu.memory_space<vmem_shared>>) offsets(%arg13 : memref<128xi32, #tpu.memory_space<vmem>>) semaphore(%run_scoped3A : memref<!tpu.dma_semaphore, #tpu.memory_space<semaphore_mem>>) {add = true}
        %dma_wait3A_43 = arith.constant 0 : i32
        %dma_wait3A_44 = arith.constant 0 : i32
        %dma_wait3A_45 = tpu.memref_slice %arg6[%dma_wait3A_43, %dma_wait3A_44] : memref<10240x128xf32, #tpu.memory_space<vmem_shared>> -> memref<10240x128xf32, #tpu.memory_space<vmem_shared>>
        tpu.wait_indirect_dma semaphore(%run_scoped3A : memref<!tpu.dma_semaphore, #tpu.memory_space<semaphore_mem>>) src(%arg8 : memref<128x128xf32, #tpu.memory_space<vmem>>) dst(%dma_wait3A_45 : memref<10240x128xf32, #tpu.memory_space<vmem_shared>>)
        tpu.yield
      }) : () -> ()
    }
    %scan3A_16 = arith.constant 40 : i32
    %barrier3A_17 = arith.constant 0 : index
    tpu.barrier barrier_id(%barrier3A_17)
    "tpu.region"() ({
      %run_scoped3A = tpu.sem_alloc : memref<!tpu.dma_semaphore, #tpu.memory_space<semaphore_mem>>
      %dma_start3A = arith.constant 0 : i32
      %dma_start3A_18 = arith.constant 0 : i32
      %dma_start3A_19 = tpu.memref_slice %arg5[%arg0, %dma_start3A, %dma_start3A_18] : memref<2x10240x128xf32, #tpu.memory_space<hbm>> -> memref<1x10240x128xf32, #tpu.memory_space<hbm>>
      %dma_start3A_20 = tpu.memref_squeeze %dma_start3A_19 : memref<1x10240x128xf32, #tpu.memory_space<hbm>> -> memref<10240x128xf32, #tpu.memory_space<hbm>>
      %dma_start3A_21 = arith.constant 0 : i32
      %dma_start3A_22 = tpu.memref_slice %dma_start3A_20[%mul3A_2, %dma_start3A_21] : memref<10240x128xf32, #tpu.memory_space<hbm>> -> memref<640x128xf32, #tpu.memory_space<hbm>>
      %dma_start3A_23 = arith.constant 0 : i32
      %dma_start3A_24 = tpu.memref_slice %arg6[%mul3A_2, %dma_start3A_23] : memref<10240x128xf32, #tpu.memory_space<vmem_shared>> -> memref<640x128xf32, #tpu.memory_space<vmem_shared>>
      tpu.enqueue_dma source(%dma_start3A_24 : memref<640x128xf32, #tpu.memory_space<vmem_shared>>) target(%dma_start3A_22 : memref<640x128xf32, #tpu.memory_space<hbm>>) target_semaphore(%run_scoped3A : memref<!tpu.dma_semaphore, #tpu.memory_space<semaphore_mem>>)
      %dma_wait3A = arith.constant 0 : i32
      %dma_wait3A_25 = arith.constant 0 : i32
      %dma_wait3A_26 = tpu.memref_slice %arg5[%arg0, %dma_wait3A, %dma_wait3A_25] : memref<2x10240x128xf32, #tpu.memory_space<hbm>> -> memref<1x10240x128xf32, #tpu.memory_space<hbm>>
      %dma_wait3A_27 = tpu.memref_squeeze %dma_wait3A_26 : memref<1x10240x128xf32, #tpu.memory_space<hbm>> -> memref<10240x128xf32, #tpu.memory_space<hbm>>
      %dma_wait3A_28 = arith.constant 0 : i32
      %dma_wait3A_29 = tpu.memref_slice %dma_wait3A_27[%mul3A_2, %dma_wait3A_28] : memref<10240x128xf32, #tpu.memory_space<hbm>> -> memref<640x128xf32, #tpu.memory_space<hbm>>
      %dma_wait3A_30 = arith.constant 0 : i32
      %dma_wait3A_31 = tpu.memref_slice %arg6[%mul3A_2, %dma_wait3A_30] : memref<10240x128xf32, #tpu.memory_space<vmem_shared>> -> memref<640x128xf32, #tpu.memory_space<vmem_shared>>
      tpu.wait_dma2 semaphore(%run_scoped3A : memref<!tpu.dma_semaphore, #tpu.memory_space<semaphore_mem>>) src(%dma_wait3A_31 : memref<640x128xf32, #tpu.memory_space<vmem_shared>>) dst(%dma_wait3A_29 : memref<640x128xf32, #tpu.memory_space<hbm>>)
      tpu.yield
    }) : () -> ()
    return
  }
}

module attributes {stable_mosaic.version = 14 : i64} {
  func.func @_mm_body(%arg0: i32, %arg1: memref<512x128xf32, #tpu.memory_space<vmem>>, %arg2: memref<128x128xf32, #tpu.memory_space<vmem>>, %arg3: memref<512x128xf32, #tpu.memory_space<vmem>>) attributes {dimension_semantics = [#tpu.dimension_semantics<arbitrary>], iteration_bounds = array<i64: 20>, scalar_prefetch = 0 : i64, scratch_operands = 0 : i64, tpu.core_type = #tpu.core_type<tc>, window_params = [{transform_indices = @transform_0, window_bounds = array<i64: 512, 128>}, {pipeline_mode = #tpu.pipeline_mode<synchronous>, transform_indices = @transform_1, window_bounds = array<i64: 128, 128>}, {transform_indices = @transform_2, window_bounds = array<i64: 512, 128>}]} {
    %get3A = arith.constant 0 : index
    %get3A_0 = arith.constant 0 : index
    %get3A_1 = vector.load %arg1[%get3A, %get3A_0] : memref<512x128xf32, #tpu.memory_space<vmem>>, vector<512x128xf32>
    %get3A_2 = arith.constant 0 : index
    %get3A_3 = arith.constant 0 : index
    %get3A_4 = vector.load %arg2[%get3A_2, %get3A_3] : memref<128x128xf32, #tpu.memory_space<vmem>>, vector<128x128xf32>
    %dot_general3A = arith.constant dense<0.000000e+00> : vector<512x128xf32>
    %dot_general3A_5 = tpu.matmul %get3A_1, %get3A_4, %dot_general3A {dimension_numbers = #tpu.dot_dimension_numbers<[1], [0], [0], [1], [0, 0, 1, 1], [], []>, precision = #tpu.contract_precision<fp32>, transpose_lhs_hint = false} : vector<512x128xf32>, vector<128x128xf32>, vector<512x128xf32> -> vector<512x128xf32>
    %swap3A = arith.constant 0 : index
    %swap3A_6 = arith.constant 0 : index
    %swap3A_7 = vector.load %arg3[%swap3A, %swap3A_6] : memref<512x128xf32, #tpu.memory_space<vmem>>, vector<512x128xf32>
    tpu.vector_store %arg3[%swap3A, %swap3A_6], %dot_general3A_5 {strides = array<i32>} : memref<512x128xf32, #tpu.memory_space<vmem>>, vector<512x128xf32>,
    return
  }
  func.func @transform_0(%arg0: i32) -> (i32, i32) {
    %c0_i32 = arith.constant 0 : i32
    %c0_i32_0 = arith.constant 0 : i32
    return %arg0, %c0_i32 : i32, i32
  }
  func.func @transform_1(%arg0: i32) -> (i32, i32) {
    %c0_i32 = arith.constant 0 : i32
    %c0_i32_0 = arith.constant 0 : i32
    %c0_i32_1 = arith.constant 0 : i32
    return %c0_i32, %c0_i32_0 : i32, i32
  }
  func.func @transform_2(%arg0: i32) -> (i32, i32) {
    %c0_i32 = arith.constant 0 : i32
    %c0_i32_0 = arith.constant 0 : i32
    return %arg0, %c0_i32 : i32, i32
  }
}

module attributes {stable_mosaic.version = 14 : i64} {
  func.func @_finish1_body(%arg0: i32, %arg1: memref<512x128xf32, #tpu.memory_space<vmem>>, %arg2: memref<512x128xf32, #tpu.memory_space<vmem>>, %arg3: memref<512x128xf32, #tpu.memory_space<vmem>>, %arg4: memref<512x128xf32, #tpu.memory_space<vmem>>, %arg5: memref<512x1xf32, #tpu.memory_space<vmem>>) attributes {dimension_semantics = [#tpu.dimension_semantics<arbitrary>], iteration_bounds = array<i64: 20>, scalar_prefetch = 0 : i64, scratch_operands = 0 : i64, tpu.core_type = #tpu.core_type<tc>, window_params = [{transform_indices = @transform_0, window_bounds = array<i64: 512, 128>}, {transform_indices = @transform_1, window_bounds = array<i64: 512, 128>}, {transform_indices = @transform_2, window_bounds = array<i64: 512, 128>}, {transform_indices = @transform_3, window_bounds = array<i64: 512, 128>}, {transform_indices = @transform_4, window_bounds = array<i64: 512, 1>}]} {
    %get3A = arith.constant 0 : index
    %get3A_0 = arith.constant 0 : index
    %get3A_1 = vector.load %arg2[%get3A, %get3A_0] : memref<512x128xf32, #tpu.memory_space<vmem>>, vector<512x1xf32>
    %get3A_2 = arith.constant 0 : index
    %get3A_3 = arith.constant 0 : index
    %get3A_4 = vector.load %arg3[%get3A_2, %get3A_3] : memref<512x128xf32, #tpu.memory_space<vmem>>, vector<512x1xf32>
    %add3A = arith.addf %get3A_1, %get3A_4 : vector<512x1xf32>
    %add3A_5 = arith.constant 1.000000e+00 : f32
    %add3A_6 = vector.broadcast %add3A_5 : f32 to vector<512x1xf32>
    %add3A_7 = arith.addf %add3A, %add3A_6 : vector<512x1xf32>
    %rsqrt3A = math.rsqrt %add3A_7 : vector<512x1xf32>
    %swap3A = arith.constant 0 : index
    %swap3A_8 = arith.constant 0 : index
    %swap3A_9 = vector.load %arg5[%swap3A, %swap3A_8] : memref<512x1xf32, #tpu.memory_space<vmem>>, vector<512x1xf32>
    tpu.vector_store %arg5[%swap3A, %swap3A_8], %rsqrt3A {strides = array<i32>} : memref<512x1xf32, #tpu.memory_space<vmem>>, vector<512x1xf32>,
    %get3A_10 = arith.constant 0 : index
    %get3A_11 = arith.constant 0 : index
    %get3A_12 = vector.load %arg1[%get3A_10, %get3A_11] : memref<512x128xf32, #tpu.memory_space<vmem>>, vector<512x128xf32>
    %mul3A = vector.broadcast %rsqrt3A : vector<512x1xf32> to vector<512x128xf32>
    %mul3A_13 = arith.mulf %get3A_12, %mul3A : vector<512x128xf32>
    %swap3A_14 = arith.constant 0 : index
    %swap3A_15 = arith.constant 0 : index
    %swap3A_16 = vector.load %arg4[%swap3A_14, %swap3A_15] : memref<512x128xf32, #tpu.memory_space<vmem>>, vector<512x128xf32>
    tpu.vector_store %arg4[%swap3A_14, %swap3A_15], %mul3A_13 {strides = array<i32>} : memref<512x128xf32, #tpu.memory_space<vmem>>, vector<512x128xf32>,
    return
  }
  func.func @transform_0(%arg0: i32) -> (i32, i32) {
    %c0_i32 = arith.constant 0 : i32
    %c0_i32_0 = arith.constant 0 : i32
    return %arg0, %c0_i32 : i32, i32
  }
  func.func @transform_1(%arg0: i32) -> (i32, i32) {
    %c0_i32 = arith.constant 0 : i32
    %c0_i32_0 = arith.constant 0 : i32
    return %arg0, %c0_i32 : i32, i32
  }
  func.func @transform_2(%arg0: i32) -> (i32, i32) {
    %c0_i32 = arith.constant 0 : i32
    %c0_i32_0 = arith.constant 0 : i32
    return %arg0, %c0_i32 : i32, i32
  }
  func.func @transform_3(%arg0: i32) -> (i32, i32) {
    %c0_i32 = arith.constant 0 : i32
    %c0_i32_0 = arith.constant 0 : i32
    return %arg0, %c0_i32 : i32, i32
  }
  func.func @transform_4(%arg0: i32) -> (i32, i32) {
    %c0_i32 = arith.constant 0 : i32
    %c0_i32_0 = arith.constant 0 : i32
    return %arg0, %c0_i32 : i32, i32
  }
}

module attributes {stable_mosaic.version = 14 : i64} {
  func.func @_mid_body(%arg0: i32, %arg1: memref<512x128xf32, #tpu.memory_space<vmem>>, %arg2: memref<512x128xf32, #tpu.memory_space<vmem>>, %arg3: memref<512x128xf32, #tpu.memory_space<vmem>>, %arg4: memref<512x1xf32, #tpu.memory_space<vmem>>, %arg5: memref<1x128xf32, #tpu.memory_space<vmem>>, %arg6: memref<128x128xf32, #tpu.memory_space<vmem>>, %arg7: memref<512x128xf32, #tpu.memory_space<vmem>>) attributes {dimension_semantics = [#tpu.dimension_semantics<arbitrary>], iteration_bounds = array<i64: 20>, scalar_prefetch = 0 : i64, scratch_operands = 0 : i64, tpu.core_type = #tpu.core_type<tc>, window_params = [{transform_indices = @transform_0, window_bounds = array<i64: 512, 128>}, {transform_indices = @transform_1, window_bounds = array<i64: 512, 128>}, {transform_indices = @transform_2, window_bounds = array<i64: 512, 128>}, {transform_indices = @transform_3, window_bounds = array<i64: 512, 1>}, {pipeline_mode = #tpu.pipeline_mode<synchronous>, transform_indices = @transform_4, window_bounds = array<i64: 1, 128>}, {pipeline_mode = #tpu.pipeline_mode<synchronous>, transform_indices = @transform_5, window_bounds = array<i64: 128, 128>}, {transform_indices = @transform_6, window_bounds = array<i64: 512, 128>}]} {
    %get3A = arith.constant 0 : index
    %get3A_0 = arith.constant 0 : index
    %get3A_1 = vector.load %arg4[%get3A, %get3A_0] : memref<512x1xf32, #tpu.memory_space<vmem>>, vector<512x1xf32>
    %get3A_2 = arith.constant 0 : index
    %get3A_3 = arith.constant 0 : index
    %get3A_4 = vector.load %arg1[%get3A_2, %get3A_3] : memref<512x128xf32, #tpu.memory_space<vmem>>, vector<512x128xf32>
    %get3A_5 = arith.constant 0 : index
    %get3A_6 = arith.constant 0 : index
    %get3A_7 = vector.load %arg2[%get3A_5, %get3A_6] : memref<512x128xf32, #tpu.memory_space<vmem>>, vector<512x128xf32>
    %add3A = arith.addf %get3A_4, %get3A_7 : vector<512x128xf32>
    %get3A_8 = arith.constant 0 : index
    %get3A_9 = arith.constant 0 : index
    %get3A_10 = vector.load %arg3[%get3A_8, %get3A_9] : memref<512x128xf32, #tpu.memory_space<vmem>>, vector<512x128xf32>
    %add3A_11 = arith.addf %add3A, %get3A_10 : vector<512x128xf32>
    %mul3A = vector.broadcast %get3A_1 : vector<512x1xf32> to vector<512x128xf32>
    %mul3A_12 = arith.mulf %add3A_11, %mul3A : vector<512x128xf32>
    %get3A_13 = arith.constant 0 : index
    %get3A_14 = arith.constant 0 : index
    %get3A_15 = vector.load %arg5[%get3A_13, %get3A_14] : memref<1x128xf32, #tpu.memory_space<vmem>>, vector<1x128xf32>
    %add3A_16 = vector.broadcast %get3A_15 : vector<1x128xf32> to vector<512x128xf32>
    %add3A_17 = arith.addf %mul3A_12, %add3A_16 : vector<512x128xf32>
    %max3A = arith.constant 0.000000e+00 : f32
    %max3A_18 = vector.broadcast %max3A : f32 to vector<512x128xf32>
    %max3A_19 = arith.maximumf %add3A_17, %max3A_18 : vector<512x128xf32>
    %get3A_20 = arith.constant 0 : index
    %get3A_21 = arith.constant 0 : index
    %get3A_22 = vector.load %arg6[%get3A_20, %get3A_21] : memref<128x128xf32, #tpu.memory_space<vmem>>, vector<128x128xf32>
    %dot_general3A = arith.constant dense<0.000000e+00> : vector<512x128xf32>
    %dot_general3A_23 = tpu.matmul %max3A_19, %get3A_22, %dot_general3A {dimension_numbers = #tpu.dot_dimension_numbers<[1], [0], [0], [1], [0, 0, 1, 1], [], []>, precision = #tpu.contract_precision<fp32>, transpose_lhs_hint = false} : vector<512x128xf32>, vector<128x128xf32>, vector<512x128xf32> -> vector<512x128xf32>
    %mul3A_24 = vector.broadcast %get3A_1 : vector<512x1xf32> to vector<512x128xf32>
    %mul3A_25 = arith.mulf %dot_general3A_23, %mul3A_24 : vector<512x128xf32>
    %swap3A = arith.constant 0 : index
    %swap3A_26 = arith.constant 0 : index
    %swap3A_27 = vector.load %arg7[%swap3A, %swap3A_26] : memref<512x128xf32, #tpu.memory_space<vmem>>, vector<512x128xf32>
    tpu.vector_store %arg7[%swap3A, %swap3A_26], %mul3A_25 {strides = array<i32>} : memref<512x128xf32, #tpu.memory_space<vmem>>, vector<512x128xf32>,
    return
  }
  func.func @transform_0(%arg0: i32) -> (i32, i32) {
    %c0_i32 = arith.constant 0 : i32
    %c0_i32_0 = arith.constant 0 : i32
    return %arg0, %c0_i32 : i32, i32
  }
  func.func @transform_1(%arg0: i32) -> (i32, i32) {
    %c0_i32 = arith.constant 0 : i32
    %c0_i32_0 = arith.constant 0 : i32
    return %arg0, %c0_i32 : i32, i32
  }
  func.func @transform_2(%arg0: i32) -> (i32, i32) {
    %c0_i32 = arith.constant 0 : i32
    %c0_i32_0 = arith.constant 0 : i32
    return %arg0, %c0_i32 : i32, i32
  }
  func.func @transform_3(%arg0: i32) -> (i32, i32) {
    %c0_i32 = arith.constant 0 : i32
    %c0_i32_0 = arith.constant 0 : i32
    return %arg0, %c0_i32 : i32, i32
  }
  func.func @transform_4(%arg0: i32) -> (i32, i32) {
    %c0_i32 = arith.constant 0 : i32
    %c0_i32_0 = arith.constant 0 : i32
    %c0_i32_1 = arith.constant 0 : i32
    return %c0_i32, %c0_i32_0 : i32, i32
  }
  func.func @transform_5(%arg0: i32) -> (i32, i32) {
    %c0_i32 = arith.constant 0 : i32
    %c0_i32_0 = arith.constant 0 : i32
    %c0_i32_1 = arith.constant 0 : i32
    return %c0_i32, %c0_i32_0 : i32, i32
  }
  func.func @transform_6(%arg0: i32) -> (i32, i32) {
    %c0_i32 = arith.constant 0 : i32
    %c0_i32_0 = arith.constant 0 : i32
    return %arg0, %c0_i32 : i32, i32
  }
}

module attributes {stable_mosaic.version = 14 : i64} {
  func.func @_out_body(%arg0: i32, %arg1: memref<512x128xf32, #tpu.memory_space<vmem>>, %arg2: memref<512x128xf32, #tpu.memory_space<vmem>>, %arg3: memref<512x128xf32, #tpu.memory_space<vmem>>, %arg4: memref<512x1xf32, #tpu.memory_space<vmem>>, %arg5: memref<1x128xf32, #tpu.memory_space<vmem>>, %arg6: memref<512x128xf32, #tpu.memory_space<vmem>>) attributes {dimension_semantics = [#tpu.dimension_semantics<arbitrary>], iteration_bounds = array<i64: 20>, scalar_prefetch = 0 : i64, scratch_operands = 0 : i64, tpu.core_type = #tpu.core_type<tc>, window_params = [{transform_indices = @transform_0, window_bounds = array<i64: 512, 128>}, {transform_indices = @transform_1, window_bounds = array<i64: 512, 128>}, {transform_indices = @transform_2, window_bounds = array<i64: 512, 128>}, {transform_indices = @transform_3, window_bounds = array<i64: 512, 1>}, {pipeline_mode = #tpu.pipeline_mode<synchronous>, transform_indices = @transform_4, window_bounds = array<i64: 1, 128>}, {transform_indices = @transform_5, window_bounds = array<i64: 512, 128>}]} {
    %get3A = arith.constant 0 : index
    %get3A_0 = arith.constant 0 : index
    %get3A_1 = vector.load %arg1[%get3A, %get3A_0] : memref<512x128xf32, #tpu.memory_space<vmem>>, vector<512x128xf32>
    %get3A_2 = arith.constant 0 : index
    %get3A_3 = arith.constant 0 : index
    %get3A_4 = vector.load %arg2[%get3A_2, %get3A_3] : memref<512x128xf32, #tpu.memory_space<vmem>>, vector<512x128xf32>
    %add3A = arith.addf %get3A_1, %get3A_4 : vector<512x128xf32>
    %get3A_5 = arith.constant 0 : index
    %get3A_6 = arith.constant 0 : index
    %get3A_7 = vector.load %arg3[%get3A_5, %get3A_6] : memref<512x128xf32, #tpu.memory_space<vmem>>, vector<512x128xf32>
    %add3A_8 = arith.addf %add3A, %get3A_7 : vector<512x128xf32>
    %get3A_9 = arith.constant 0 : index
    %get3A_10 = arith.constant 0 : index
    %get3A_11 = vector.load %arg4[%get3A_9, %get3A_10] : memref<512x1xf32, #tpu.memory_space<vmem>>, vector<512x1xf32>
    %mul3A = vector.broadcast %get3A_11 : vector<512x1xf32> to vector<512x128xf32>
    %mul3A_12 = arith.mulf %add3A_8, %mul3A : vector<512x128xf32>
    %get3A_13 = arith.constant 0 : index
    %get3A_14 = arith.constant 0 : index
    %get3A_15 = vector.load %arg5[%get3A_13, %get3A_14] : memref<1x128xf32, #tpu.memory_space<vmem>>, vector<1x128xf32>
    %add3A_16 = vector.broadcast %get3A_15 : vector<1x128xf32> to vector<512x128xf32>
    %add3A_17 = arith.addf %mul3A_12, %add3A_16 : vector<512x128xf32>
    %swap3A = arith.constant 0 : index
    %swap3A_18 = arith.constant 0 : index
    %swap3A_19 = vector.load %arg6[%swap3A, %swap3A_18] : memref<512x128xf32, #tpu.memory_space<vmem>>, vector<512x128xf32>
    tpu.vector_store %arg6[%swap3A, %swap3A_18], %add3A_17 {strides = array<i32>} : memref<512x128xf32, #tpu.memory_space<vmem>>, vector<512x128xf32>,
    return
  }
  func.func @transform_0(%arg0: i32) -> (i32, i32) {
    %c0_i32 = arith.constant 0 : i32
    %c0_i32_0 = arith.constant 0 : i32
    return %arg0, %c0_i32 : i32, i32
  }
  func.func @transform_1(%arg0: i32) -> (i32, i32) {
    %c0_i32 = arith.constant 0 : i32
    %c0_i32_0 = arith.constant 0 : i32
    return %arg0, %c0_i32 : i32, i32
  }
  func.func @transform_2(%arg0: i32) -> (i32, i32) {
    %c0_i32 = arith.constant 0 : i32
    %c0_i32_0 = arith.constant 0 : i32
    return %arg0, %c0_i32 : i32, i32
  }
  func.func @transform_3(%arg0: i32) -> (i32, i32) {
    %c0_i32 = arith.constant 0 : i32
    %c0_i32_0 = arith.constant 0 : i32
    return %arg0, %c0_i32 : i32, i32
  }
  func.func @transform_4(%arg0: i32) -> (i32, i32) {
    %c0_i32 = arith.constant 0 : i32
    %c0_i32_0 = arith.constant 0 : i32
    %c0_i32_1 = arith.constant 0 : i32
    return %c0_i32, %c0_i32_0 : i32, i32
  }
  func.func @transform_5(%arg0: i32) -> (i32, i32) {
    %c0_i32 = arith.constant 0 : i32
    %c0_i32_0 = arith.constant 0 : i32
    return %arg0, %c0_i32 : i32, i32
  }
}

</mosaic_0001>

<sc_bundles>
// kernel: _run.12.cloned.1.call-start
scs
__scs_entry_jumppad:
0x0: {  	(pc) =	sbr.rel $0x88, $3  }
0x1: {  	(tag) =	ssettag $0x0;
	lr =	simm.s32 $0x1  }
0x2: {  	[smem:$0x3F9B] =	sst lr;
	_ =	strace $0xD0000000  }
0x3: {  	_ = 	snop  }
0x4: {  	_ = 	snop  }
0x5: {  	_ = 	snop  }
0x6: {  	_ = 	snop  }
0x7: {  	_ = 	snop  }
__scs_overlays_trampoline_lowered:
0x8: {  	[smem:$0x3FAA] =	sst s0  }
0x9: {  	[smem:$0x3FAB] =	sst s1  }
0xa: {  	[smem:$0x3FAC] =	sst s2  }
0xb: {  	[smem:$0x3FAD] =	sst s3  }
0xc: {  	[smem:$0x3FAE] =	sst s4  }
0xd: {  	[smem:$0x3FAF] =	sst s5  }
0xe: {  	[smem:$0x3FB0] =	sst s6  }
0xf: {  	[smem:$0x3FB1] =	sst s7  }
0x10: {  	[smem:$0x3FB2] =	sst s8  }
0x11: {  	[smem:$0x3FB3] =	sst s9;
	s0 =	simm.s32 @!p0 $0x0  }
0x12: {  	s1 =	sld [smem:$0x3F99];
	s0 =	simm.s32 @p0 $0x1  }
0x13: {  	[smem:$0x3FB4] =	sst s0;
	s0 =	simm.s32 @!p1 $0x0  }
0x14: {  	s2 =	sld [smem:$0x3F98];
	s0 =	simm.s32 @p1 $0x1  }
0x15: {  	[smem:$0x3FB5] =	sst s0;
	s0 =	simm.s32 @!p2 $0x0  }
0x16: {  	s3 =	sld [smem:$0x3FDB];
	s0 =	simm.s32 @p2 $0x1  }
0x17: {  	s4 =	simm.s32 $0x1BF5;
	[smem:$0x3FB7] =	sst s0  }
0x18: {  	s0 =	sld [smem:$0x3F9A];
	_ =	swait.ge [sflag:s4], $0x0  }
0x19: {  	s7 =	sld [smem:$0x3F9B]  }
0x1a: {  	s8 =	sadd.s32 $0xFFFFE003, lr  }
0x1b: {  	s9 =	sadd.s32 $0xFFFFFEF7, lr;
	s5 =	simm.s32 $0xFFFFFFFF;
	p2 =	slt.u32 s8, $0xFFFFF086  }
0x1c: {  	p1 =	slt.u32 s9, $0xF7A;
	s5 =	simm.s32 @!p2 $0x0  }
0x1d: {  	s5 =	simm.s32 @p1 $0x1;
	p0 =	seq.s32 s7, s2  }
0x1e: {  	s7 =	smul.u32 @!p0 $0xF7A, s2;
	p2 =	seq.s32 @!p0 s5, $0x0  }
0x1f: {  	s9 =	smul.u32 $0xF7A, s1;
	s8 =	simm.s32 @!p0 $0x1BF5;
	p2 =	por !p2, p0  }
0x20: {  	[sflag:s8] =	ssyncset.s32 @!p0 $0xFFFFF086;
	s6 =	sadd.s32 @!p0 s3, s7;
	s7 =	simm.s32 @!p0 $0x108  }
0x21: {  	s3 =	sadd.s32 s3, s9;
	s6 =	sadd.s32 @!p0 $0x88, s6;
	s7 =	simm.s32 @p2 $0x1082  }
0x22: {  	[simem:s7], [sflag:s8] =	dma.local @!p0 [hbm:s6], $0xF7A  }
0x23: {  	s9 =	sor.u32 $0xD0000000, s2;
	s6 =	simm.s32 $0x108;
	_ =	swait.ge @!p0 [sflag:s8], $0x0  }
0x24: {  	s3 =	sadd.s32 $0x88, s3;
	s6 =	simm.s32 @!p1 $0x1082;
	[sflag:s4] =	ssyncset.s32 $0xFFFFF086  }
0x25: {  	[simem:s6], [sflag:s4] =	dma.local [hbm:s3], $0xF7A  }
0x26: {  	[smem:$0x3F9B] =	sst s1;
	(tag) =	ssettag s2;
	_ =	strace s9  }
0x27: {  	s1 =	sld [smem:$0x3FAB]  }
0x28: {  	s2 =	sld [smem:$0x3FAC]  }
0x29: {  	s4 =	sld [smem:$0x3FAE]  }
0x2a: {  	p0 =	seq.s32 s5, $0x0;
	s5 =	sld [smem:$0x3FAF]  }
0x2b: {  	s6 =	sld [smem:$0x3FB0]  }
0x2c: {  	s7 =	sld [smem:$0x3FB1]  }
0x2d: {  	s3 =	simm.s32 $0x108;
	s8 =	sld [smem:$0x3FB2]  }
0x2e: {  	s3 =	simm.s32 @!p0 $0x1082;
	s9 =	sld [smem:$0x3FB3]  }
0x2f: {  	lr =	sadd.s32 s0, s3;
	s0 =	sld [smem:$0x3FAA]  }
0x30: {  	s3 =	sld [smem:$0x3FAD]  }
0x31: {  	[smem:$0x3FB6] =	sst s10  }
0x32: {  	s10 =	sld [smem:$0x3FB4];
	_ =	sdelay $0x3  }
0x33: {  	p0 =	seq.s32 s10, $0x1;
	s10 =	sld [smem:$0x3FB6];
	_ =	sdelay $0x3  }
0x34: {  	[smem:$0x3FB6] =	sst s10  }
0x35: {  	s10 =	sld [smem:$0x3FB5];
	_ =	sdelay $0x3  }
0x36: {  	p1 =	seq.s32 s10, $0x1;
	s10 =	sld [smem:$0x3FB6];
	_ =	sdelay $0x3  }
0x37: {  	[smem:$0x3FB6] =	sst s10  }
0x38: {  	s10 =	sld [smem:$0x3FB7]  }
0x39: {  	_ = 	snop;
	(pc) =	sbr.ind lr, $3  }
0x3a: {  	_ = 	snop  }
0x3b: {  	_ = 	snop  }
0x3c: {  	p2 =	seq.s32 s10, $0x1;
	s10 =	sld [smem:$0x3FB6]  }
0x3d: {  	_ =	shalt  }
0x3e: {  	_ =	shalt  }
0x3f: {  	_ =	shalt  }
0x40: {  	_ =	shalt  }
0x41: {  	_ =	shalt  }
0x42: {  	_ =	shalt  }
0x43: {  	_ =	shalt  }
0x44: {  	_ =	shalt  }
0x45: {  	_ =	shalt  }
0x46: {  	_ =	shalt  }
0x47: {  	_ =	shalt  }
0x48: {  	_ =	shalt  }
0x49: {  	_ =	shalt  }
0x4a: {  	_ =	shalt  }
0x4b: {  	_ =	shalt  }
0x4c: {  	_ =	shalt  }
0x4d: {  	_ =	shalt  }
0x4e: {  	_ =	shalt  }
0x4f: {  	_ =	shalt  }
0x50: {  	_ =	shalt  }
0x51: {  	_ =	shalt  }
0x52: {  	_ =	shalt  }
0x53: {  	_ =	shalt  }
0x54: {  	_ =	shalt  }
0x55: {  	_ =	shalt  }
0x56: {  	_ =	shalt  }
0x57: {  	_ =	shalt  }
0x58: {  	_ =	shalt  }
0x59: {  	_ =	shalt  }
0x5a: {  	_ =	shalt  }
0x5b: {  	_ =	shalt  }
0x5c: {  	_ =	shalt  }
0x5d: {  	_ =	shalt  }
0x5e: {  	_ =	shalt  }
0x5f: {  	_ =	shalt  }
0x60: {  	_ =	shalt  }
0x61: {  	_ =	shalt  }
0x62: {  	_ =	shalt  }
0x63: {  	_ =	shalt  }
0x64: {  	_ =	shalt  }
0x65: {  	_ =	shalt  }
0x66: {  	_ =	shalt  }
0x67: {  	_ =	shalt  }
0x68: {  	_ =	shalt  }
0x69: {  	_ =	shalt  }
0x6a: {  	_ =	shalt  }
0x6b: {  	_ =	shalt  }
0x6c: {  	_ =	shalt  }
0x6d: {  	_ =	shalt  }
0x6e: {  	_ =	shalt  }
0x6f: {  	_ =	shalt  }
0x70: {  	_ =	shalt  }
0x71: {  	_ =	shalt  }
0x72: {  	_ =	shalt  }
0x73: {  	_ =	shalt  }
0x74: {  	_ =	shalt  }
0x75: {  	_ =	shalt  }
0x76: {  	_ =	shalt  }
0x77: {  	_ =	shalt  }
0x78: {  	_ =	shalt  }
0x79: {  	_ =	shalt  }
0x7a: {  	_ =	shalt  }
0x7b: {  	_ =	shalt  }
0x7c: {  	_ =	shalt  }
0x7d: {  	_ =	shalt  }
0x7e: {  	_ =	shalt  }
0x7f: {  	_ =	shalt  }
0x80: {  	_ =	shalt  }
0x81: {  	_ =	shalt  }
0x82: {  	_ =	shalt  }
0x83: {  	_ =	shalt  }
0x84: {  	_ =	shalt  }
0x85: {  	_ =	shalt  }
0x86: {  	_ =	shalt  }
0x87: {  	_ =	shalt  }
.Lfunc_end0:
.L_simem_size_0:
called_computation.1_lowered:
.L_overlay_start_0:
0x88: {  	s2 =	sld [smem:$0x3FD9]  }
0x89: {  	s3 =	sld [smem:$0x3FFE];
	_ =	sdelay $0x1  }
0x8a: {  	s1 =	srdreg.scid  }
0x8b: {  	s0 =	sand.u32 $0x1, s1  }
0x8c: {  	s17 =	sshll.u32 s0, $0xA;
	s2 =	sadd.s32 s3, s2  }
0x8d: {  	s2 =	sadd.s32 s2, s17  }
0x8e: {  	[smem:$0x3FC2] =	sst s2  }
0x8f: {  	_ = 	snop  }
0x90: {  	s2 =	sld [smem:$0x3FD0];
	(tm) =	ssettm $0x1  }
0x91: {  	s18 =	sld [smem:$0x3FFB];
	_ =	sdelay $0x3  }
0x92: {  	_ =	strace s18  }
0x93: {  	s3 =	sld [smem:$0x3FFC];
	_ =	sdelay $0x3  }
0x94: {  	_ =	strace s3  }
0x95: {  	s3 =	sld [smem:$0x3FFD];
	_ =	sdelay $0x3  }
0x96: {  	_ =	strace s3  }
0x97: {  	_ =	strace $0x8FFFFFFF  }
0x98: {  	s19 =	sld [smem:$0x3FDB];
	_ =	sdelay $0x1  }
0x99: {  	s4 =	simm.s32 $_scs_section_size  }
0x9a: {  	s5 =	simm.s32 $_size__tile_overlayer_lowered;
	s6 =	simm.s32 $_tile_overlayer_lowered  }
0x9b: {  	s22 =	simm.s32 $0x1BFF;
	s21 =	sshll.u32 s6, $0x1;
	s3 =	sadd.s32 s4, s19  }
0x9c: {  	s7 =	simm.s32 $0x0;
	s20 =	sshll.u32 s5, $0x1;
	s5 =	sadd.s32 s21, s3  }
0x9d: {  	[timem:s7], [sflag:s22] =	dma.local [hbm:s5], s20  }
0x9e: {  	_ =	swait.ge [sflag:s22], s20  }
0x9f: {  	s4 =	ssub.s32 $0x0, s20;
	[sflag:s22] =	ssyncset.done $0x0  }
0xa0: {  	[sflag:s22] =	ssyncadd.s32 s4;
	_ =	sdelay $0x1  }
0xa1: {  	s23 =	simm.s32 $0x1B8B  }
0xa2: {  	_ =	swait.ge [sflag:s23], $0x1  }
0xa3: {  	[sflag:s23] =	ssyncset.done $0x0  }
0xa4: {  	s25 =	simm.s32 $0x1B8E;
	s24 =	sld [smem:$0x3FFE];
	[sflag:s23] =	ssyncadd.s32 $0xFFFFFFFF  }
0xa5: {  	s26 =	simm.s32 $execute0_lowered;
	[smem:$0x3FD2] =	sst s25  }
0xa6: {  	s5 =	sshll.u32 s26, $0x1;
	_ =	strace $0x80000049;
	[dreg:$0x1] =	wrdreg $0xFFFFFFFF  }
0xa7: {  	s28 =	simm.s32 $_size_execute0_lowered;
	s3 =	sadd.s32 s3, s5;
	[dreg:$0x0] =	wrdreg $0x0  }
0xa8: {  	s5 =	sshll.u32 s28, $0x1;
	[dreg:$0x2] =	wrdreg s3  }
0xa9: {  	[dreg:$0x3] =	wrdreg s5  }
0xaa: {  	[dreg:$0x4] =	wrdreg $0xC0  }
0xab: {  	_ =	task [dreg:s7], $0x5FFFF  }
0xac: {  	[dreg:$0x1] =	wrdreg $0xFFFFFFFF  }
0xad: {  	[dreg:$0x0] =	wrdreg $0x60  }
0xae: {  	[dreg:$0x2] =	wrdreg s24  }
0xaf: {  	[dreg:$0x3] =	wrdreg s2  }
0xb0: {  	[dreg:$0x4] =	wrdreg $0x0  }
0xb1: {  	[dreg:$0x5] =	wrdreg $0x9  }
0xb2: {  	_ =	task.clear_ibuf [dreg:s7], $0x6FFFF;
	_ =	strace $0x90000049  }
0xb3: {  	s29 =	simm.s32 $0x9;
	_ =	strace $0x8000004B  }
0xb4: {  	_ =	swait.ge [sflag:s29], $0x1  }
0xb5: {  	[sflag:s29] =	ssyncadd.s32 $0xFFFFFFFF  }
0xb6: {  	_ =	strace $0x9000004B  }
0xb7: {  	_ =	sfence  }
0xb8: {  	s30 =	sld [smem:$0x0];
	_ =	sdelay $0x2  }
0xb9: {  	s31 =	sshll.u32 s1, $0xD;
	s1 =	sshrl.u32 s1, $0x2  }
0xba: {  	s3 =	sand.u32 $0x4000, s31;
	s1 =	sadd.s32 s1, s30  }
0xbb: {  	s0 =	sor.u32 s3, s0;
	s1 =	sshll.u32 s1, $0x11  }
0xbc: {  	s0 =	sor.u32 s1, s0  }
0xbd: {  	s0 =	sadd.s32 $0x8F2B, s0  }
0xbe: {  	[sflag:s0] =	ssyncadd.remote.s32 $0x1  }
0xbf: {  	_ =	sfence.sel $0xFFFF  }
0xc0: {  	[dreg:$0x0] =	wrdreg $0xFFFFFFFF;
	(pc) =	sbr.abs _section_cstart, $3  }
0xc1: {  	[dreg:$0x1] =	wrdreg $0xFFFFFFFF  }
0xc2: {  	_ =	task.clear_ibuf [dreg:s7], $0x2FFFF;
	_ =	strace $0x9FFFFFFF  }
0xc3: {  	(tm) =	ssettm $0x7FFFFFFF  }
tec
execute0_lowered:
.L_overlay_start_1:
0x0: {  	(tag) =	ssettag $0x1  }
0x1: {  	s7 =	rddreg [dreg:$0x0]  }
0x2: {  	s1 =	rddreg [dreg:$0x1]  }
0x3: {  	s2 =	rddreg [dreg:$0x2]  }
0x4: {  	s0 =	rddreg [dreg:$0x3];
	s3 =	simm.s32 $0x0;
	s4 =	srdreg.scid  }
0x5: {  	s13 =	simm.s32 $0x1C900;
	s14 =	simm.s32 $0x80;
	s15 =	simm.s32 $0x14000  }
0x6: {  	s16 =	simm.s32 $0x1C880;
	s17 =	simm.s32 $0x1C980;
	s8 =	sand.u32 $0x1, s4  }
0x7: {  	s18 =	simm.s32 $0x18000;
	s4 =	stileid.u32;
	s9 =	smul.u32 $0x28000, s8  }
0x8: {  	s19 =	simm.s32 $0x1;
	s20 =	simm.s32 $0x2;
	s11 =	smul.u32 $0x50000, s4  }
0x9: {  	[smem:$0x7FF] =	sst s3;
	s5 =	sadd.s32 $0xCE00, s7;
	s12 =	smul.u32 $0x5000, s8  }
0xa: {  	s6 =	sadd.s32 $0x2E00, s7;
	s10 =	ssub.s32 $0x2, s8;
	s31 =	smul.u32 $0x500, s4  }
0xb: {  	_ =	strace $0x8000004A;
	s22 =	smul.u32 $0x2800, s4;
	s28 =	sshrl.u32 s10, $0x1  }
0xc: {  	s9 =	sadd.s32 s9, s7;
	s29 =	ssub.s32 s10, s28;
	s30 =	sshrl.u32 s11, $0x2  }
0xd: {  	s10 =	simm.s32 $0x1C000;
	s11 =	simm.s32 $0x3;
	s7 =	sadd.s32 s30, s2  }
0xe: {  	s21 =	sadd.s32 $0x5CE00, s9;
	s8 =	smax.u32 s29, $0x1;
	s9 =	sadd.s32 s31, s12  }
0xf: {  	v0 =	vimm.f32 $0.0e+00;
	s12 =	simm.s32 $0x1C800;
	s21 =	sadd.s32 s22, s21;
	s22 =	simm.s32 $0x0  }
.LBB2_1:
0x10: {  	s23 =	simm.s32 $0x0;
	s24 =	simm.s32 $0x200  }
.LBB2_2:
0x11: {  	p0 =	sne.s32 s24, $0x1E00;
	[tilespmem:s23+$0x1C070] =	vst v0  }
0x12: {  	[tilespmem:s23+$0x1C000] =	vst v0  }
0x13: {  	[tilespmem:s23+$0x1C010] =	vst v0  }
.Ltmp0:
0x14: {  	[tilespmem:s23+$0x1C020] =	vst v0;
	(pc) =	sbr.rel @p0 .LBB2_2-.Ltmp0, $4  }
0x15: {  	[tilespmem:s23+$0x1C030] =	vst v0  }
0x16: {  	[tilespmem:s23+$0x1C040] =	vst v0  }
0x17: {  	[tilespmem:s23+$0x1C050] =	vst v0  }
0x18: {  	[tilespmem:s23+$0x1C060] =	vst v0;
	s23 =	sshra.s32 s24, $0x2;
	s24 =	sadd.s32 $0x200, s24  }
0x19: {  	[tilespmem:s23+$0x1C070] =	vst v0  }
0x1a: {  	[tilespmem:s23+$0x1C000] =	vst v0  }
0x1b: {  	[tilespmem:s23+$0x1C010] =	vst v0  }
0x1c: {  	[tilespmem:s23+$0x1C020] =	vst v0  }
0x1d: {  	[tilespmem:s23+$0x1C030] =	vst v0  }
0x1e: {  	[tilespmem:s23+$0x1C040] =	vst v0  }
0x1f: {  	[tilespmem:s23+$0x1C050] =	vst v0  }
0x20: {  	[tilespmem:s23+$0x1C060] =	vst v0;
	s31 =	sadd.s32 $0x0, s7  }
0x21: {  	[spmem:s31] =	stream.linear.scatter [tilespmem:s10], [sflag:$0x3], $0x800, $0x38;
	[tilespmem:$0x1CA00] =	vst v63  }
0x22: {  	s23 =	simm.s32 $0x2000;
	_ =	swait.ge [sflag:s11], $0x800  }
.LBB2_4:
0x23: {  	s24 =	sshra.s32 s23, $0x2;
	[sflag:s11] =	ssyncset.done $0x0;
	p0 =	sne.s32 s23, $0x4E000  }
.Ltmp1:
0x24: {  	s24 =	sadd.s32 s24, s7;
	[sflag:s11] =	ssyncadd.s32 $0xFFFFF800;
	(pc) =	sbr.rel @p0 .LBB2_4-.Ltmp1, $3  }
0x25: {  	[spmem:s24] =	stream.linear.scatter [tilespmem:s10], [sflag:$0x3], $0x800, $0x38;
	[tilespmem:$0x1CA00] =	vst v63  }
0x26: {  	s23 =	sadd.s32 $0x2000, s23;
	_ =	sdelay $0x1  }
0x27: {  	_ =	swait.ge [sflag:s11], $0x800  }
0x28: {  	s23 =	simm.s32 $0x0;
	s24 =	sadd.s32 $0x0, s9  }
0x29: {  	[sflag:s11] =	ssyncset.done $0x0;
	s24 =	sand.u32 $0x1FF80, s24;
	s23 =	sand.u32 $0x60, s23  }
0x2a: {  	[sflag:s11] =	ssyncadd.s32 $0xFFFFF800;
	s23 =	sor.u32 s23, s24  }
0x2b: {  	[bflag:$0x0] =	sbarrier.arrive $0xFFFF;
	s24 =	sadd.s32 s1, s23  }
0x2c: {  	[tilespmem:s12], [sflag:$0x3] =	stream.linear.gather [hbm4b:s24+s3], $0x80, $0x38;
	[tilespmem:$0x1CA00] =	vst v63  }
0x2d: {  	_ =	swait.ge [sflag:s11], $0x80  }
0x2e: {  	[sflag:s11] =	ssyncset.done $0x0  }
0x2f: {  	s28 =	sadd.s32 s6, s23;
	[sflag:s11] =	ssyncadd.s32 $0xFFFFFF80  }
0x30: {  	[tilespmem:s13], [sflag:$0x3] =	stream.linear.gather [hbm4b:s28+s3], $0x80, $0x38;
	[tilespmem:$0x1CA00] =	vst v63  }
0x31: {  	_ =	swait.ge [sflag:s11], $0x80  }
0x32: {  	[sflag:s11] =	ssyncset.done $0x0  }
0x33: {  	s23 =	sor.u32 $0x10, s23;
	[sflag:s11] =	ssyncadd.s32 $0xFFFFFF80  }
0x34: {  	[tilespmem:s15], [sflag:$0x1] =	stream.indirect.gather [hbm4b:s5+s14], $0x80, s12, s14, $0xb8;
	[tilespmem:$0x1CA00] =	vst v63  }
0x35: {  	s29 =	sadd.s32 s1, s23  }
0x36: {  	[tilespmem:s16], [sflag:$0x3] =	stream.linear.gather [hbm4b:s29+s3], $0x80, $0x38;
	[tilespmem:$0x1CA00] =	vst v63  }
0x37: {  	_ =	swait.ge [sflag:s11], $0x80  }
0x38: {  	[sflag:s11] =	ssyncset.done $0x0  }
0x39: {  	s23 =	sadd.s32 s6, s23;
	[sflag:s11] =	ssyncadd.s32 $0xFFFFFF80  }
0x3a: {  	[tilespmem:s17], [sflag:$0x3] =	stream.linear.gather [hbm4b:s23+s3], $0x80, $0x38;
	[tilespmem:$0x1CA00] =	vst v63  }
0x3b: {  	_ =	swait.ge [sflag:s11], $0x80  }
0x3c: {  	[sflag:s11] =	ssyncset.done $0x0  }
0x3d: {  	[sflag:s11] =	ssyncadd.s32 $0xFFFFFF80  }
0x3e: {  	[tilespmem:s18], [sflag:$0x2] =	stream.indirect.gather [hbm4b:s5+s14], $0x80, s16, s14, $0xb8;
	[tilespmem:$0x1CA00] =	vst v63  }
0x3f: {  	_ =	swait.ge [sflag:s19], $0x4000  }
0x40: {  	[sflag:s19] =	ssyncset.done $0x0  }
0x41: {  	[sflag:s19] =	ssyncadd.s32 $0xFFFFC000  }
0x42: {  	[spmem:s2] =	stream.indirect.scatter.add.f32 [tilespmem:s15], [sflag:$0x3], $0x80, s13, s14, $0xb8;
	[tilespmem:$0x1CA00] =	vst v63  }
0x43: {  	_ =	swait.ge [sflag:s11], $0x4000  }
0x44: {  	[sflag:s11] =	ssyncset.done $0x0  }
0x45: {  	[sflag:s11] =	ssyncadd.s32 $0xFFFFC000  }
0x46: {  	_ =	swait.ge [sflag:s20], $0x4000  }
0x47: {  	[sflag:s20] =	ssyncset.done $0x0  }
0x48: {  	s30 =	simm.s32 $0x20;
	s31 =	sadd.s32 $0x20, s9;
	[sflag:s20] =	ssyncadd.s32 $0xFFFFC000  }
0x49: {  	[spmem:s2] =	stream.indirect.scatter.add.f32 [tilespmem:s18], [sflag:$0x3], $0x80, s17, s14, $0xb8;
	[tilespmem:$0x1CA00] =	vst v63  }
0x4a: {  	s24 =	sand.u32 $0x1FF80, s31;
	s23 =	sand.u32 $0x60, s30;
	_ =	swait.ge [sflag:s11], $0x4000  }
0x4b: {  	s26 =	simm.s32 $0x40;
	s25 =	sor.u32 s23, s24;
	[sflag:s11] =	ssyncset.done $0x0  }
.LBB2_6:
0x4c: {  	s28 =	sadd.s32 s1, s25  }
0x4d: {  	[sflag:s11] =	ssyncadd.s32 $0xFFFFC000;
	s24 =	smov.u32 s26;
	s23 =	sadd.s32 $0x20, s26  }
0x4e: {  	[tilespmem:s12], [sflag:$0x3] =	stream.linear.gather [hbm4b:s28+s3], $0x80, $0x38;
	[tilespmem:$0x1CA00] =	vst v63  }
0x4f: {  	p0 =	sne.s32 s26, $0x4E0;
	_ =	swait.ge [sflag:s11], $0x80  }
0x50: {  	[sflag:s11] =	ssyncset.done $0x0  }
0x51: {  	s26 =	sadd.s32 s6, s25;
	[sflag:s11] =	ssyncadd.s32 $0xFFFFFF80  }
0x52: {  	[tilespmem:s13], [sflag:$0x3] =	stream.linear.gather [hbm4b:s26+s3], $0x80, $0x38;
	[tilespmem:$0x1CA00] =	vst v63  }
0x53: {  	_ =	swait.ge [sflag:s11], $0x80  }
0x54: {  	[sflag:s11] =	ssyncset.done $0x0  }
0x55: {  	s25 =	sor.u32 $0x10, s25;
	[sflag:s11] =	ssyncadd.s32 $0xFFFFFF80  }
0x56: {  	[tilespmem:s15], [sflag:$0x1] =	stream.indirect.gather [hbm4b:s5+s14], $0x80, s12, s14, $0xb8;
	[tilespmem:$0x1CA00] =	vst v63  }
0x57: {  	s26 =	sadd.s32 s1, s25  }
0x58: {  	[tilespmem:s16], [sflag:$0x3] =	stream.linear.gather [hbm4b:s26+s3], $0x80, $0x38;
	[tilespmem:$0x1CA00] =	vst v63  }
0x59: {  	_ =	swait.ge [sflag:s11], $0x80  }
0x5a: {  	[sflag:s11] =	ssyncset.done $0x0  }
0x5b: {  	s25 =	sadd.s32 s6, s25;
	[sflag:s11] =	ssyncadd.s32 $0xFFFFFF80  }
0x5c: {  	[tilespmem:s17], [sflag:$0x3] =	stream.linear.gather [hbm4b:s25+s3], $0x80, $0x38;
	[tilespmem:$0x1CA00] =	vst v63  }
0x5d: {  	_ =	swait.ge [sflag:s11], $0x80  }
0x5e: {  	[sflag:s11] =	ssyncset.done $0x0  }
0x5f: {  	[sflag:s11] =	ssyncadd.s32 $0xFFFFFF80  }
0x60: {  	[tilespmem:s18], [sflag:$0x2] =	stream.indirect.gather [hbm4b:s5+s14], $0x80, s16, s14, $0xb8;
	[tilespmem:$0x1CA00] =	vst v63  }
0x61: {  	_ =	swait.ge [sflag:s19], $0x4000  }
0x62: {  	[sflag:s19] =	ssyncset.done $0x0  }
0x63: {  	[sflag:s19] =	ssyncadd.s32 $0xFFFFC000  }
0x64: {  	[spmem:s2] =	stream.indirect.scatter.add.f32 [tilespmem:s15], [sflag:$0x3], $0x80, s13, s14, $0xb8;
	[tilespmem:$0x1CA00] =	vst v63  }
0x65: {  	_ =	swait.ge [sflag:s11], $0x4000  }
0x66: {  	[sflag:s11] =	ssyncset.done $0x0  }
0x67: {  	[sflag:s11] =	ssyncadd.s32 $0xFFFFC000  }
0x68: {  	_ =	swait.ge [sflag:s20], $0x4000  }
.Ltmp2:
0x69: {  	[sflag:s20] =	ssyncset.done $0x0;
	(pc) =	sbr.rel @p0 .LBB2_6-.Ltmp2, $4  }
0x6a: {  	s25 =	sadd.s32 s24, s9;
	[sflag:s20] =	ssyncadd.s32 $0xFFFFC000  }
0x6b: {  	[spmem:s2] =	stream.indirect.scatter.add.f32 [tilespmem:s18], [sflag:$0x3], $0x80, s17, s14, $0xb8;
	[tilespmem:$0x1CA00] =	vst v63  }
0x6c: {  	s24 =	sand.u32 $0x60, s24;
	s25 =	sand.u32 $0x1FF80, s25;
	_ =	swait.ge [sflag:s11], $0x4000  }
0x6d: {  	s26 =	smov.u32 s23;
	s25 =	sor.u32 s24, s25;
	[sflag:s11] =	ssyncset.done $0x0  }
0x6e: {  	s23 =	sadd.s32 s1, s25;
	[sflag:s11] =	ssyncadd.s32 $0xFFFFC000  }
0x6f: {  	[tilespmem:s12], [sflag:$0x3] =	stream.linear.gather [hbm4b:s23+s3], $0x80, $0x38;
	[tilespmem:$0x1CA00] =	vst v63  }
0x70: {  	_ =	swait.ge [sflag:s11], $0x80  }
0x71: {  	[sflag:s11] =	ssyncset.done $0x0  }
0x72: {  	s28 =	sadd.s32 s6, s25;
	[sflag:s11] =	ssyncadd.s32 $0xFFFFFF80  }
0x73: {  	[tilespmem:s13], [sflag:$0x3] =	stream.linear.gather [hbm4b:s28+s3], $0x80, $0x38;
	[tilespmem:$0x1CA00] =	vst v63  }
0x74: {  	_ =	swait.ge [sflag:s11], $0x80  }
0x75: {  	[sflag:s11] =	ssyncset.done $0x0  }
0x76: {  	s29 =	sor.u32 $0x10, s25;
	[sflag:s11] =	ssyncadd.s32 $0xFFFFFF80  }
0x77: {  	[tilespmem:s15], [sflag:$0x1] =	stream.indirect.gather [hbm4b:s5+s14], $0x80, s12, s14, $0xb8;
	[tilespmem:$0x1CA00] =	vst v63  }
0x78: {  	s24 =	sadd.s32 s1, s29  }
0x79: {  	[tilespmem:s16], [sflag:$0x3] =	stream.linear.gather [hbm4b:s24+s3], $0x80, $0x38;
	[tilespmem:$0x1CA00] =	vst v63  }
0x7a: {  	_ =	swait.ge [sflag:s11], $0x80  }
0x7b: {  	[sflag:s11] =	ssyncset.done $0x0  }
0x7c: {  	s23 =	sadd.s32 s6, s29;
	[sflag:s11] =	ssyncadd.s32 $0xFFFFFF80  }
0x7d: {  	[tilespmem:s17], [sflag:$0x3] =	stream.linear.gather [hbm4b:s23+s3], $0x80, $0x38;
	[tilespmem:$0x1CA00] =	vst v63  }
0x7e: {  	_ =	swait.ge [sflag:s11], $0x80  }
0x7f: {  	[sflag:s11] =	ssyncset.done $0x0  }
0x80: {  	[sflag:s11] =	ssyncadd.s32 $0xFFFFFF80  }
0x81: {  	[tilespmem:s18], [sflag:$0x2] =	stream.indirect.gather [hbm4b:s5+s14], $0x80, s16, s14, $0xb8;
	[tilespmem:$0x1CA00] =	vst v63  }
0x82: {  	_ =	swait.ge [sflag:s19], $0x4000  }
0x83: {  	[sflag:s19] =	ssyncset.done $0x0  }
0x84: {  	[sflag:s19] =	ssyncadd.s32 $0xFFFFC000  }
0x85: {  	[spmem:s2] =	stream.indirect.scatter.add.f32 [tilespmem:s15], [sflag:$0x3], $0x80, s13, s14, $0xb8;
	[tilespmem:$0x1CA00] =	vst v63  }
0x86: {  	_ =	swait.ge [sflag:s11], $0x4000  }
0x87: {  	[sflag:s11] =	ssyncset.done $0x0  }
0x88: {  	[sflag:s11] =	ssyncadd.s32 $0xFFFFC000  }
0x89: {  	_ =	swait.ge [sflag:s20], $0x4000  }
0x8a: {  	[sflag:s20] =	ssyncset.done $0x0  }
0x8b: {  	[sflag:s20] =	ssyncadd.s32 $0xFFFFC000  }
0x8c: {  	[spmem:s2] =	stream.indirect.scatter.add.f32 [tilespmem:s18], [sflag:$0x3], $0x80, s17, s14, $0xb8;
	[tilespmem:$0x1CA00] =	vst v63  }
0x8d: {  	_ =	swait.ge [sflag:s11], $0x4000  }
0x8e: {  	s30 =	sshll.u32 s4, $0x6;
	s22 =	sadd.s32 $0x1, s22;
	[sflag:s11] =	ssyncset.done $0x0  }
0x8f: {  	s31 =	sshrl.u32 s7, $0x3;
	p0 =	sne.s32 s22, s8;
	[sflag:s11] =	ssyncadd.s32 $0xFFFFC000  }
.Ltmp3:
0x90: {  	s23 =	sor.u32 $0x1C03, s30;
	[bflag:$0x0] =	sbarrier.arrive $0xFFFF;
	(pc) =	sbr.rel @p0 .LBB2_1-.Ltmp3, $4  }
0x91: {  	[hbm:s21], [sflag:s23] =	dma.local [spmem:s31], $0x2800  }
0x92: {  	_ =	swait.ge [sflag:s11], $0x2800  }
0x93: {  	[sflag:s11] =	ssyncset.done $0x0  }
0x94: {  	[sflag:s11] =	ssyncadd.s32 $0xFFFFD800  }
0x95: {  	_ =	sfence.sel $0x180000  }
0x96: {  	[bflag:$0x0] =	sbarrier.arrive $0xFFFF  }
0x97: {  	p0 =	sne.s32 s4, $0x0;
	_ =	strace $0x9000004A  }
0x98: {  	s0 =	sadd.s32 @!p0 $0x100000, s0;
	[bflag:$0x2] =	sbarrier.arrive $0xFFFF  }
0x99: {  	[sflag:s0] =	ssyncadd.tile.s32 @!p0 $0x1;
	_ =	shalt  }
.Lfunc_end2:
_tile_overlayer_lowered:
.L_overlay_start_2:
0x9a: {  	(tag) =	ssettag $0x2  }
0x9b: {  	s0 =	rddreg [dreg:$0x0];
	s2 =	stileid.u32  }
0x9c: {  	s1 =	rddreg [dreg:$0x1];
	p0 =	sne.s32 s2, $0x0  }
0x9d: {  	s3 =	rddreg [dreg:$0x2];
	[bflag:$0x3] =	sbarrier.arrive $0xFFFF;
	s2 =	simm.s32 @!p0 $0x1C03  }
0x9e: {  	[timem:s3], [sflag:s2] =	dma.local @!p0 [hbm:s0], s1  }
0x9f: {  	s0 =	simm.s32 @!p0 $0x3  }
0xa0: {  	_ =	swait.ge @!p0 [sflag:s0], s1  }
0xa1: {  	s1 =	ssub.s32 @!p0 $0x0, s1;
	[sflag:s0] =	ssyncset.done @!p0 $0x0  }
0xa2: {  	[sflag:s0] =	ssyncadd.s32 @!p0 s1  }
0xa3: {  	[bflag:$0x3] =	sbarrier.arrive $0xFFFF  }
0xa4: {  	_ =	shalt  }

// kernel: _run.15.cloned.1.call-start
scs
__scs_entry_jumppad:
0x0: {  	(pc) =	sbr.rel $0x88, $3  }
0x1: {  	(tag) =	ssettag $0x0;
	lr =	simm.s32 $0x1  }
0x2: {  	[smem:$0x3F9B] =	sst lr;
	_ =	strace $0xD0000000  }
0x3: {  	_ = 	snop  }
0x4: {  	_ = 	snop  }
0x5: {  	_ = 	snop  }
0x6: {  	_ = 	snop  }
0x7: {  	_ = 	snop  }
__scs_overlays_trampoline_lowered:
0x8: {  	[smem:$0x3FAA] =	sst s0  }
0x9: {  	[smem:$0x3FAB] =	sst s1  }
0xa: {  	[smem:$0x3FAC] =	sst s2  }
0xb: {  	[smem:$0x3FAD] =	sst s3  }
0xc: {  	[smem:$0x3FAE] =	sst s4  }
0xd: {  	[smem:$0x3FAF] =	sst s5  }
0xe: {  	[smem:$0x3FB0] =	sst s6  }
0xf: {  	[smem:$0x3FB1] =	sst s7  }
0x10: {  	[smem:$0x3FB2] =	sst s8  }
0x11: {  	[smem:$0x3FB3] =	sst s9;
	s0 =	simm.s32 @!p0 $0x0  }
0x12: {  	s1 =	sld [smem:$0x3F99];
	s0 =	simm.s32 @p0 $0x1  }
0x13: {  	[smem:$0x3FB4] =	sst s0;
	s0 =	simm.s32 @!p1 $0x0  }
0x14: {  	s2 =	sld [smem:$0x3F98];
	s0 =	simm.s32 @p1 $0x1  }
0x15: {  	[smem:$0x3FB5] =	sst s0;
	s0 =	simm.s32 @!p2 $0x0  }
0x16: {  	s3 =	sld [smem:$0x3FDB];
	s0 =	simm.s32 @p2 $0x1  }
0x17: {  	s4 =	simm.s32 $0x1BF5;
	[smem:$0x3FB7] =	sst s0  }
0x18: {  	s0 =	sld [smem:$0x3F9A];
	_ =	swait.ge [sflag:s4], $0x0  }
0x19: {  	s7 =	sld [smem:$0x3F9B]  }
0x1a: {  	s8 =	sadd.s32 $0xFFFFE003, lr  }
0x1b: {  	s9 =	sadd.s32 $0xFFFFFEF7, lr;
	s5 =	simm.s32 $0xFFFFFFFF;
	p2 =	slt.u32 s8, $0xFFFFF086  }
0x1c: {  	p1 =	slt.u32 s9, $0xF7A;
	s5 =	simm.s32 @!p2 $0x0  }
0x1d: {  	s5 =	simm.s32 @p1 $0x1;
	p0 =	seq.s32 s7, s2  }
0x1e: {  	s7 =	smul.u32 @!p0 $0xF7A, s2;
	p2 =	seq.s32 @!p0 s5, $0x0  }
0x1f: {  	s9 =	smul.u32 $0xF7A, s1;
	s8 =	simm.s32 @!p0 $0x1BF5;
	p2 =	por !p2, p0  }
0x20: {  	[sflag:s8] =	ssyncset.s32 @!p0 $0xFFFFF086;
	s6 =	sadd.s32 @!p0 s3, s7;
	s7 =	simm.s32 @!p0 $0x108  }
0x21: {  	s3 =	sadd.s32 s3, s9;
	s6 =	sadd.s32 @!p0 $0x88, s6;
	s7 =	simm.s32 @p2 $0x1082  }
0x22: {  	[simem:s7], [sflag:s8] =	dma.local @!p0 [hbm:s6], $0xF7A  }
0x23: {  	s9 =	sor.u32 $0xD0000000, s2;
	s6 =	simm.s32 $0x108;
	_ =	swait.ge @!p0 [sflag:s8], $0x0  }
0x24: {  	s3 =	sadd.s32 $0x88, s3;
	s6 =	simm.s32 @!p1 $0x1082;
	[sflag:s4] =	ssyncset.s32 $0xFFFFF086  }
0x25: {  	[simem:s6], [sflag:s4] =	dma.local [hbm:s3], $0xF7A  }
0x26: {  	[smem:$0x3F9B] =	sst s1;
	(tag) =	ssettag s2;
	_ =	strace s9  }
0x27: {  	s1 =	sld [smem:$0x3FAB]  }
0x28: {  	s2 =	sld [smem:$0x3FAC]  }
0x29: {  	s4 =	sld [smem:$0x3FAE]  }
0x2a: {  	p0 =	seq.s32 s5, $0x0;
	s5 =	sld [smem:$0x3FAF]  }
0x2b: {  	s6 =	sld [smem:$0x3FB0]  }
0x2c: {  	s7 =	sld [smem:$0x3FB1]  }
0x2d: {  	s3 =	simm.s32 $0x108;
	s8 =	sld [smem:$0x3FB2]  }
0x2e: {  	s3 =	simm.s32 @!p0 $0x1082;
	s9 =	sld [smem:$0x3FB3]  }
0x2f: {  	lr =	sadd.s32 s0, s3;
	s0 =	sld [smem:$0x3FAA]  }
0x30: {  	s3 =	sld [smem:$0x3FAD]  }
0x31: {  	[smem:$0x3FB6] =	sst s10  }
0x32: {  	s10 =	sld [smem:$0x3FB4];
	_ =	sdelay $0x3  }
0x33: {  	p0 =	seq.s32 s10, $0x1;
	s10 =	sld [smem:$0x3FB6];
	_ =	sdelay $0x3  }
0x34: {  	[smem:$0x3FB6] =	sst s10  }
0x35: {  	s10 =	sld [smem:$0x3FB5];
	_ =	sdelay $0x3  }
0x36: {  	p1 =	seq.s32 s10, $0x1;
	s10 =	sld [smem:$0x3FB6];
	_ =	sdelay $0x3  }
0x37: {  	[smem:$0x3FB6] =	sst s10  }
0x38: {  	s10 =	sld [smem:$0x3FB7]  }
0x39: {  	_ = 	snop;
	(pc) =	sbr.ind lr, $3  }
0x3a: {  	_ = 	snop  }
0x3b: {  	_ = 	snop  }
0x3c: {  	p2 =	seq.s32 s10, $0x1;
	s10 =	sld [smem:$0x3FB6]  }
0x3d: {  	_ =	shalt  }
0x3e: {  	_ =	shalt  }
0x3f: {  	_ =	shalt  }
0x40: {  	_ =	shalt  }
0x41: {  	_ =	shalt  }
0x42: {  	_ =	shalt  }
0x43: {  	_ =	shalt  }
0x44: {  	_ =	shalt  }
0x45: {  	_ =	shalt  }
0x46: {  	_ =	shalt  }
0x47: {  	_ =	shalt  }
0x48: {  	_ =	shalt  }
0x49: {  	_ =	shalt  }
0x4a: {  	_ =	shalt  }
0x4b: {  	_ =	shalt  }
0x4c: {  	_ =	shalt  }
0x4d: {  	_ =	shalt  }
0x4e: {  	_ =	shalt  }
0x4f: {  	_ =	shalt  }
0x50: {  	_ =	shalt  }
0x51: {  	_ =	shalt  }
0x52: {  	_ =	shalt  }
0x53: {  	_ =	shalt  }
0x54: {  	_ =	shalt  }
0x55: {  	_ =	shalt  }
0x56: {  	_ =	shalt  }
0x57: {  	_ =	shalt  }
0x58: {  	_ =	shalt  }
0x59: {  	_ =	shalt  }
0x5a: {  	_ =	shalt  }
0x5b: {  	_ =	shalt  }
0x5c: {  	_ =	shalt  }
0x5d: {  	_ =	shalt  }
0x5e: {  	_ =	shalt  }
0x5f: {  	_ =	shalt  }
0x60: {  	_ =	shalt  }
0x61: {  	_ =	shalt  }
0x62: {  	_ =	shalt  }
0x63: {  	_ =	shalt  }
0x64: {  	_ =	shalt  }
0x65: {  	_ =	shalt  }
0x66: {  	_ =	shalt  }
0x67: {  	_ =	shalt  }
0x68: {  	_ =	shalt  }
0x69: {  	_ =	shalt  }
0x6a: {  	_ =	shalt  }
0x6b: {  	_ =	shalt  }
0x6c: {  	_ =	shalt  }
0x6d: {  	_ =	shalt  }
0x6e: {  	_ =	shalt  }
0x6f: {  	_ =	shalt  }
0x70: {  	_ =	shalt  }
0x71: {  	_ =	shalt  }
0x72: {  	_ =	shalt  }
0x73: {  	_ =	shalt  }
0x74: {  	_ =	shalt  }
0x75: {  	_ =	shalt  }
0x76: {  	_ =	shalt  }
0x77: {  	_ =	shalt  }
0x78: {  	_ =	shalt  }
0x79: {  	_ =	shalt  }
0x7a: {  	_ =	shalt  }
0x7b: {  	_ =	shalt  }
0x7c: {  	_ =	shalt  }
0x7d: {  	_ =	shalt  }
0x7e: {  	_ =	shalt  }
0x7f: {  	_ =	shalt  }
0x80: {  	_ =	shalt  }
0x81: {  	_ =	shalt  }
0x82: {  	_ =	shalt  }
0x83: {  	_ =	shalt  }
0x84: {  	_ =	shalt  }
0x85: {  	_ =	shalt  }
0x86: {  	_ =	shalt  }
0x87: {  	_ =	shalt  }
.Lfunc_end0:
.L_simem_size_0:
called_computation.2_lowered:
.L_overlay_start_0:
0x88: {  	s2 =	sld [smem:$0x3FD9]  }
0x89: {  	s3 =	sld [smem:$0x3FFE];
	_ =	sdelay $0x1  }
0x8a: {  	s1 =	srdreg.scid  }
0x8b: {  	s0 =	sand.u32 $0x1, s1  }
0x8c: {  	s17 =	sshll.u32 s0, $0xA;
	s2 =	sadd.s32 s3, s2  }
0x8d: {  	s2 =	sadd.s32 s2, s17  }
0x8e: {  	[smem:$0x3FC2] =	sst s2  }
0x8f: {  	_ = 	snop  }
0x90: {  	s2 =	sld [smem:$0x3FD0];
	(tm) =	ssettm $0x1  }
0x91: {  	s18 =	sld [smem:$0x3FFB];
	_ =	sdelay $0x3  }
0x92: {  	_ =	strace s18  }
0x93: {  	s3 =	sld [smem:$0x3FFC];
	_ =	sdelay $0x3  }
0x94: {  	_ =	strace s3  }
0x95: {  	s3 =	sld [smem:$0x3FFD];
	_ =	sdelay $0x3  }
0x96: {  	_ =	strace s3  }
0x97: {  	_ =	strace $0x8FFFFFFF  }
0x98: {  	s19 =	sld [smem:$0x3FDB];
	_ =	sdelay $0x1  }
0x99: {  	s4 =	simm.s32 $_scs_section_size  }
0x9a: {  	s5 =	simm.s32 $_size__tile_overlayer_lowered;
	s6 =	simm.s32 $_tile_overlayer_lowered  }
0x9b: {  	s22 =	simm.s32 $0x1BFF;
	s21 =	sshll.u32 s6, $0x1;
	s3 =	sadd.s32 s4, s19  }
0x9c: {  	s7 =	simm.s32 $0x0;
	s20 =	sshll.u32 s5, $0x1;
	s5 =	sadd.s32 s21, s3  }
0x9d: {  	[timem:s7], [sflag:s22] =	dma.local [hbm:s5], s20  }
0x9e: {  	_ =	swait.ge [sflag:s22], s20  }
0x9f: {  	s4 =	ssub.s32 $0x0, s20;
	[sflag:s22] =	ssyncset.done $0x0  }
0xa0: {  	[sflag:s22] =	ssyncadd.s32 s4;
	_ =	sdelay $0x1  }
0xa1: {  	s23 =	simm.s32 $0x1B8B  }
0xa2: {  	_ =	swait.ge [sflag:s23], $0x1  }
0xa3: {  	[sflag:s23] =	ssyncset.done $0x0  }
0xa4: {  	s25 =	simm.s32 $0x1B8E;
	s24 =	sld [smem:$0x3FFE];
	[sflag:s23] =	ssyncadd.s32 $0xFFFFFFFF  }
0xa5: {  	s26 =	simm.s32 $execute0_lowered;
	[smem:$0x3FD2] =	sst s25  }
0xa6: {  	s5 =	sshll.u32 s26, $0x1;
	_ =	strace $0x8000004C;
	[dreg:$0x1] =	wrdreg $0xFFFFFFFF  }
0xa7: {  	s28 =	simm.s32 $_size_execute0_lowered;
	s3 =	sadd.s32 s3, s5;
	[dreg:$0x0] =	wrdreg $0x0  }
0xa8: {  	s5 =	sshll.u32 s28, $0x1;
	[dreg:$0x2] =	wrdreg s3  }
0xa9: {  	[dreg:$0x3] =	wrdreg s5  }
0xaa: {  	[dreg:$0x4] =	wrdreg $0xC0  }
0xab: {  	_ =	task [dreg:s7], $0x5FFFF  }
0xac: {  	[dreg:$0x1] =	wrdreg $0xFFFFFFFF  }
0xad: {  	[dreg:$0x0] =	wrdreg $0x60  }
0xae: {  	[dreg:$0x2] =	wrdreg s24  }
0xaf: {  	[dreg:$0x3] =	wrdreg s2  }
0xb0: {  	[dreg:$0x4] =	wrdreg $0x0  }
0xb1: {  	[dreg:$0x5] =	wrdreg $0x9  }
0xb2: {  	_ =	task.clear_ibuf [dreg:s7], $0x6FFFF;
	_ =	strace $0x9000004C  }
0xb3: {  	s29 =	simm.s32 $0x9;
	_ =	strace $0x8000004E  }
0xb4: {  	_ =	swait.ge [sflag:s29], $0x1  }
0xb5: {  	[sflag:s29] =	ssyncadd.s32 $0xFFFFFFFF  }
0xb6: {  	_ =	strace $0x9000004E  }
0xb7: {  	_ =	sfence  }
0xb8: {  	s30 =	sld [smem:$0x0];
	_ =	sdelay $0x2  }
0xb9: {  	s31 =	sshll.u32 s1, $0xD;
	s1 =	sshrl.u32 s1, $0x2  }
0xba: {  	s3 =	sand.u32 $0x4000, s31;
	s1 =	sadd.s32 s1, s30  }
0xbb: {  	s0 =	sor.u32 s3, s0;
	s1 =	sshll.u32 s1, $0x11  }
0xbc: {  	s0 =	sor.u32 s1, s0  }
0xbd: {  	s0 =	sadd.s32 $0x8F2B, s0  }
0xbe: {  	[sflag:s0] =	ssyncadd.remote.s32 $0x1  }
0xbf: {  	_ =	sfence.sel $0xFFFF  }
0xc0: {  	[dreg:$0x0] =	wrdreg $0xFFFFFFFF;
	(pc) =	sbr.abs _section_cstart, $3  }
0xc1: {  	[dreg:$0x1] =	wrdreg $0xFFFFFFFF  }
0xc2: {  	_ =	task.clear_ibuf [dreg:s7], $0x2FFFF;
	_ =	strace $0x9FFFFFFF  }
0xc3: {  	(tm) =	ssettm $0x7FFFFFFF  }
tec
execute0_lowered:
.L_overlay_start_1:
0x0: {  	(tag) =	ssettag $0x1  }
0x1: {  	s7 =	rddreg [dreg:$0x0]  }
0x2: {  	s1 =	rddreg [dreg:$0x1]  }
0x3: {  	s2 =	rddreg [dreg:$0x2]  }
0x4: {  	s0 =	rddreg [dreg:$0x3];
	s3 =	simm.s32 $0x0;
	s4 =	srdreg.scid  }
0x5: {  	s13 =	simm.s32 $0x1C900;
	s14 =	simm.s32 $0x80;
	s15 =	simm.s32 $0x14000  }
0x6: {  	s16 =	simm.s32 $0x1C880;
	s17 =	simm.s32 $0x1C980;
	s8 =	sand.u32 $0x1, s4  }
0x7: {  	s18 =	simm.s32 $0x18000;
	s4 =	stileid.u32;
	s9 =	smul.u32 $0x28000, s8  }
0x8: {  	s19 =	simm.s32 $0x1;
	s20 =	simm.s32 $0x2;
	s11 =	smul.u32 $0x50000, s4  }
0x9: {  	[smem:$0x7FF] =	sst s3;
	s5 =	sadd.s32 $0xCE00, s7;
	s12 =	smul.u32 $0x5000, s8  }
0xa: {  	s6 =	sadd.s32 $0x2E00, s7;
	s10 =	ssub.s32 $0x2, s8;
	s31 =	smul.u32 $0x500, s4  }
0xb: {  	_ =	strace $0x8000004D;
	s22 =	smul.u32 $0x2800, s4;
	s28 =	sshrl.u32 s10, $0x1  }
0xc: {  	s9 =	sadd.s32 s9, s7;
	s29 =	ssub.s32 s10, s28;
	s30 =	sshrl.u32 s11, $0x2  }
0xd: {  	s10 =	simm.s32 $0x1C000;
	s11 =	simm.s32 $0x3;
	s7 =	sadd.s32 s30, s2  }
0xe: {  	s21 =	sadd.s32 $0x5CE00, s9;
	s8 =	smax.u32 s29, $0x1;
	s9 =	sadd.s32 s31, s12  }
0xf: {  	v0 =	vimm.f32 $0.0e+00;
	s12 =	simm.s32 $0x1C800;
	s21 =	sadd.s32 s22, s21;
	s22 =	simm.s32 $0x0  }
.LBB2_1:
0x10: {  	s23 =	simm.s32 $0x0;
	s24 =	simm.s32 $0x200  }
.LBB2_2:
0x11: {  	p0 =	sne.s32 s24, $0x1E00;
	[tilespmem:s23+$0x1C070] =	vst v0  }
0x12: {  	[tilespmem:s23+$0x1C000] =	vst v0  }
0x13: {  	[tilespmem:s23+$0x1C010] =	vst v0  }
.Ltmp0:
0x14: {  	[tilespmem:s23+$0x1C020] =	vst v0;
	(pc) =	sbr.rel @p0 .LBB2_2-.Ltmp0, $4  }
0x15: {  	[tilespmem:s23+$0x1C030] =	vst v0  }
0x16: {  	[tilespmem:s23+$0x1C040] =	vst v0  }
0x17: {  	[tilespmem:s23+$0x1C050] =	vst v0  }
0x18: {  	[tilespmem:s23+$0x1C060] =	vst v0;
	s23 =	sshra.s32 s24, $0x2;
	s24 =	sadd.s32 $0x200, s24  }
0x19: {  	[tilespmem:s23+$0x1C070] =	vst v0  }
0x1a: {  	[tilespmem:s23+$0x1C000] =	vst v0  }
0x1b: {  	[tilespmem:s23+$0x1C010] =	vst v0  }
0x1c: {  	[tilespmem:s23+$0x1C020] =	vst v0  }
0x1d: {  	[tilespmem:s23+$0x1C030] =	vst v0  }
0x1e: {  	[tilespmem:s23+$0x1C040] =	vst v0  }
0x1f: {  	[tilespmem:s23+$0x1C050] =	vst v0  }
0x20: {  	[tilespmem:s23+$0x1C060] =	vst v0;
	s31 =	sadd.s32 $0x0, s7  }
0x21: {  	[spmem:s31] =	stream.linear.scatter [tilespmem:s10], [sflag:$0x3], $0x800, $0x38;
	[tilespmem:$0x1CA00] =	vst v63  }
0x22: {  	s23 =	simm.s32 $0x2000;
	_ =	swait.ge [sflag:s11], $0x800  }
.LBB2_4:
0x23: {  	s24 =	sshra.s32 s23, $0x2;
	[sflag:s11] =	ssyncset.done $0x0;
	p0 =	sne.s32 s23, $0x4E000  }
.Ltmp1:
0x24: {  	s24 =	sadd.s32 s24, s7;
	[sflag:s11] =	ssyncadd.s32 $0xFFFFF800;
	(pc) =	sbr.rel @p0 .LBB2_4-.Ltmp1, $3  }
0x25: {  	[spmem:s24] =	stream.linear.scatter [tilespmem:s10], [sflag:$0x3], $0x800, $0x38;
	[tilespmem:$0x1CA00] =	vst v63  }
0x26: {  	s23 =	sadd.s32 $0x2000, s23;
	_ =	sdelay $0x1  }
0x27: {  	_ =	swait.ge [sflag:s11], $0x800  }
0x28: {  	s23 =	simm.s32 $0x0;
	s24 =	sadd.s32 $0x0, s9  }
0x29: {  	[sflag:s11] =	ssyncset.done $0x0;
	s24 =	sand.u32 $0x1FF80, s24;
	s23 =	sand.u32 $0x60, s23  }
0x2a: {  	[sflag:s11] =	ssyncadd.s32 $0xFFFFF800;
	s23 =	sor.u32 s23, s24  }
0x2b: {  	[bflag:$0x0] =	sbarrier.arrive $0xFFFF;
	s24 =	sadd.s32 s1, s23  }
0x2c: {  	[tilespmem:s12], [sflag:$0x3] =	stream.linear.gather [hbm4b:s24+s3], $0x80, $0x38;
	[tilespmem:$0x1CA00] =	vst v63  }
0x2d: {  	_ =	swait.ge [sflag:s11], $0x80  }
0x2e: {  	[sflag:s11] =	ssyncset.done $0x0  }
0x2f: {  	s28 =	sadd.s32 s6, s23;
	[sflag:s11] =	ssyncadd.s32 $0xFFFFFF80  }
0x30: {  	[tilespmem:s13], [sflag:$0x3] =	stream.linear.gather [hbm4b:s28+s3], $0x80, $0x38;
	[tilespmem:$0x1CA00] =	vst v63  }
0x31: {  	_ =	swait.ge [sflag:s11], $0x80  }
0x32: {  	[sflag:s11] =	ssyncset.done $0x0  }
0x33: {  	s23 =	sor.u32 $0x10, s23;
	[sflag:s11] =	ssyncadd.s32 $0xFFFFFF80  }
0x34: {  	[tilespmem:s15], [sflag:$0x1] =	stream.indirect.gather [hbm4b:s5+s14], $0x80, s12, s14, $0xb8;
	[tilespmem:$0x1CA00] =	vst v63  }
0x35: {  	s29 =	sadd.s32 s1, s23  }
0x36: {  	[tilespmem:s16], [sflag:$0x3] =	stream.linear.gather [hbm4b:s29+s3], $0x80, $0x38;
	[tilespmem:$0x1CA00] =	vst v63  }
0x37: {  	_ =	swait.ge [sflag:s11], $0x80  }
0x38: {  	[sflag:s11] =	ssyncset.done $0x0  }
0x39: {  	s23 =	sadd.s32 s6, s23;
	[sflag:s11] =	ssyncadd.s32 $0xFFFFFF80  }
0x3a: {  	[tilespmem:s17], [sflag:$0x3] =	stream.linear.gather [hbm4b:s23+s3], $0x80, $0x38;
	[tilespmem:$0x1CA00] =	vst v63  }
0x3b: {  	_ =	swait.ge [sflag:s11], $0x80  }
0x3c: {  	[sflag:s11] =	ssyncset.done $0x0  }
0x3d: {  	[sflag:s11] =	ssyncadd.s32 $0xFFFFFF80  }
0x3e: {  	[tilespmem:s18], [sflag:$0x2] =	stream.indirect.gather [hbm4b:s5+s14], $0x80, s16, s14, $0xb8;
	[tilespmem:$0x1CA00] =	vst v63  }
0x3f: {  	_ =	swait.ge [sflag:s19], $0x4000  }
0x40: {  	[sflag:s19] =	ssyncset.done $0x0  }
0x41: {  	[sflag:s19] =	ssyncadd.s32 $0xFFFFC000  }
0x42: {  	[spmem:s2] =	stream.indirect.scatter.add.f32 [tilespmem:s15], [sflag:$0x3], $0x80, s13, s14, $0xb8;
	[tilespmem:$0x1CA00] =	vst v63  }
0x43: {  	_ =	swait.ge [sflag:s11], $0x4000  }
0x44: {  	[sflag:s11] =	ssyncset.done $0x0  }
0x45: {  	[sflag:s11] =	ssyncadd.s32 $0xFFFFC000  }
0x46: {  	_ =	swait.ge [sflag:s20], $0x4000  }
0x47: {  	[sflag:s20] =	ssyncset.done $0x0  }
0x48: {  	s30 =	simm.s32 $0x20;
	s31 =	sadd.s32 $0x20, s9;
	[sflag:s20] =	ssyncadd.s32 $0xFFFFC000  }
0x49: {  	[spmem:s2] =	stream.indirect.scatter.add.f32 [tilespmem:s18], [sflag:$0x3], $0x80, s17, s14, $0xb8;
	[tilespmem:$0x1CA00] =	vst v63  }
0x4a: {  	s24 =	sand.u32 $0x1FF80, s31;
	s23 =	sand.u32 $0x60, s30;
	_ =	swait.ge [sflag:s11], $0x4000  }
0x4b: {  	s26 =	simm.s32 $0x40;
	s25 =	sor.u32 s23, s24;
	[sflag:s11] =	ssyncset.done $0x0  }
.LBB2_6:
0x4c: {  	s28 =	sadd.s32 s1, s25  }
0x4d: {  	[sflag:s11] =	ssyncadd.s32 $0xFFFFC000;
	s24 =	smov.u32 s26;
	s23 =	sadd.s32 $0x20, s26  }
0x4e: {  	[tilespmem:s12], [sflag:$0x3] =	stream.linear.gather [hbm4b:s28+s3], $0x80, $0x38;
	[tilespmem:$0x1CA00] =	vst v63  }
0x4f: {  	p0 =	sne.s32 s26, $0x4E0;
	_ =	swait.ge [sflag:s11], $0x80  }
0x50: {  	[sflag:s11] =	ssyncset.done $0x0  }
0x51: {  	s26 =	sadd.s32 s6, s25;
	[sflag:s11] =	ssyncadd.s32 $0xFFFFFF80  }
0x52: {  	[tilespmem:s13], [sflag:$0x3] =	stream.linear.gather [hbm4b:s26+s3], $0x80, $0x38;
	[tilespmem:$0x1CA00] =	vst v63  }
0x53: {  	_ =	swait.ge [sflag:s11], $0x80  }
0x54: {  	[sflag:s11] =	ssyncset.done $0x0  }
0x55: {  	s25 =	sor.u32 $0x10, s25;
	[sflag:s11] =	ssyncadd.s32 $0xFFFFFF80  }
0x56: {  	[tilespmem:s15], [sflag:$0x1] =	stream.indirect.gather [hbm4b:s5+s14], $0x80, s12, s14, $0xb8;
	[tilespmem:$0x1CA00] =	vst v63  }
0x57: {  	s26 =	sadd.s32 s1, s25  }
0x58: {  	[tilespmem:s16], [sflag:$0x3] =	stream.linear.gather [hbm4b:s26+s3], $0x80, $0x38;
	[tilespmem:$0x1CA00] =	vst v63  }
0x59: {  	_ =	swait.ge [sflag:s11], $0x80  }
0x5a: {  	[sflag:s11] =	ssyncset.done $0x0  }
0x5b: {  	s25 =	sadd.s32 s6, s25;
	[sflag:s11] =	ssyncadd.s32 $0xFFFFFF80  }
0x5c: {  	[tilespmem:s17], [sflag:$0x3] =	stream.linear.gather [hbm4b:s25+s3], $0x80, $0x38;
	[tilespmem:$0x1CA00] =	vst v63  }
0x5d: {  	_ =	swait.ge [sflag:s11], $0x80  }
0x5e: {  	[sflag:s11] =	ssyncset.done $0x0  }
0x5f: {  	[sflag:s11] =	ssyncadd.s32 $0xFFFFFF80  }
0x60: {  	[tilespmem:s18], [sflag:$0x2] =	stream.indirect.gather [hbm4b:s5+s14], $0x80, s16, s14, $0xb8;
	[tilespmem:$0x1CA00] =	vst v63  }
0x61: {  	_ =	swait.ge [sflag:s19], $0x4000  }
0x62: {  	[sflag:s19] =	ssyncset.done $0x0  }
0x63: {  	[sflag:s19] =	ssyncadd.s32 $0xFFFFC000  }
0x64: {  	[spmem:s2] =	stream.indirect.scatter.add.f32 [tilespmem:s15], [sflag:$0x3], $0x80, s13, s14, $0xb8;
	[tilespmem:$0x1CA00] =	vst v63  }
0x65: {  	_ =	swait.ge [sflag:s11], $0x4000  }
0x66: {  	[sflag:s11] =	ssyncset.done $0x0  }
0x67: {  	[sflag:s11] =	ssyncadd.s32 $0xFFFFC000  }
0x68: {  	_ =	swait.ge [sflag:s20], $0x4000  }
.Ltmp2:
0x69: {  	[sflag:s20] =	ssyncset.done $0x0;
	(pc) =	sbr.rel @p0 .LBB2_6-.Ltmp2, $4  }
0x6a: {  	s25 =	sadd.s32 s24, s9;
	[sflag:s20] =	ssyncadd.s32 $0xFFFFC000  }
0x6b: {  	[spmem:s2] =	stream.indirect.scatter.add.f32 [tilespmem:s18], [sflag:$0x3], $0x80, s17, s14, $0xb8;
	[tilespmem:$0x1CA00] =	vst v63  }
0x6c: {  	s24 =	sand.u32 $0x60, s24;
	s25 =	sand.u32 $0x1FF80, s25;
	_ =	swait.ge [sflag:s11], $0x4000  }
0x6d: {  	s26 =	smov.u32 s23;
	s25 =	sor.u32 s24, s25;
	[sflag:s11] =	ssyncset.done $0x0  }
0x6e: {  	s23 =	sadd.s32 s1, s25;
	[sflag:s11] =	ssyncadd.s32 $0xFFFFC000  }
0x6f: {  	[tilespmem:s12], [sflag:$0x3] =	stream.linear.gather [hbm4b:s23+s3], $0x80, $0x38;
	[tilespmem:$0x1CA00] =	vst v63  }
0x70: {  	_ =	swait.ge [sflag:s11], $0x80  }
0x71: {  	[sflag:s11] =	ssyncset.done $0x0  }
0x72: {  	s28 =	sadd.s32 s6, s25;
	[sflag:s11] =	ssyncadd.s32 $0xFFFFFF80  }
0x73: {  	[tilespmem:s13], [sflag:$0x3] =	stream.linear.gather [hbm4b:s28+s3], $0x80, $0x38;
	[tilespmem:$0x1CA00] =	vst v63  }
0x74: {  	_ =	swait.ge [sflag:s11], $0x80  }
0x75: {  	[sflag:s11] =	ssyncset.done $0x0  }
0x76: {  	s29 =	sor.u32 $0x10, s25;
	[sflag:s11] =	ssyncadd.s32 $0xFFFFFF80  }
0x77: {  	[tilespmem:s15], [sflag:$0x1] =	stream.indirect.gather [hbm4b:s5+s14], $0x80, s12, s14, $0xb8;
	[tilespmem:$0x1CA00] =	vst v63  }
0x78: {  	s24 =	sadd.s32 s1, s29  }
0x79: {  	[tilespmem:s16], [sflag:$0x3] =	stream.linear.gather [hbm4b:s24+s3], $0x80, $0x38;
	[tilespmem:$0x1CA00] =	vst v63  }
0x7a: {  	_ =	swait.ge [sflag:s11], $0x80  }
0x7b: {  	[sflag:s11] =	ssyncset.done $0x0  }
0x7c: {  	s23 =	sadd.s32 s6, s29;
	[sflag:s11] =	ssyncadd.s32 $0xFFFFFF80  }
0x7d: {  	[tilespmem:s17], [sflag:$0x3] =	stream.linear.gather [hbm4b:s23+s3], $0x80, $0x38;
	[tilespmem:$0x1CA00] =	vst v63  }
0x7e: {  	_ =	swait.ge [sflag:s11], $0x80  }
0x7f: {  	[sflag:s11] =	ssyncset.done $0x0  }
0x80: {  	[sflag:s11] =	ssyncadd.s32 $0xFFFFFF80  }
0x81: {  	[tilespmem:s18], [sflag:$0x2] =	stream.indirect.gather [hbm4b:s5+s14], $0x80, s16, s14, $0xb8;
	[tilespmem:$0x1CA00] =	vst v63  }
0x82: {  	_ =	swait.ge [sflag:s19], $0x4000  }
0x83: {  	[sflag:s19] =	ssyncset.done $0x0  }
0x84: {  	[sflag:s19] =	ssyncadd.s32 $0xFFFFC000  }
0x85: {  	[spmem:s2] =	stream.indirect.scatter.add.f32 [tilespmem:s15], [sflag:$0x3], $0x80, s13, s14, $0xb8;
	[tilespmem:$0x1CA00] =	vst v63  }
0x86: {  	_ =	swait.ge [sflag:s11], $0x4000  }
0x87: {  	[sflag:s11] =	ssyncset.done $0x0  }
0x88: {  	[sflag:s11] =	ssyncadd.s32 $0xFFFFC000  }
0x89: {  	_ =	swait.ge [sflag:s20], $0x4000  }
0x8a: {  	[sflag:s20] =	ssyncset.done $0x0  }
0x8b: {  	[sflag:s20] =	ssyncadd.s32 $0xFFFFC000  }
0x8c: {  	[spmem:s2] =	stream.indirect.scatter.add.f32 [tilespmem:s18], [sflag:$0x3], $0x80, s17, s14, $0xb8;
	[tilespmem:$0x1CA00] =	vst v63  }
0x8d: {  	_ =	swait.ge [sflag:s11], $0x4000  }
0x8e: {  	s30 =	sshll.u32 s4, $0x6;
	s22 =	sadd.s32 $0x1, s22;
	[sflag:s11] =	ssyncset.done $0x0  }
0x8f: {  	s31 =	sshrl.u32 s7, $0x3;
	p0 =	sne.s32 s22, s8;
	[sflag:s11] =	ssyncadd.s32 $0xFFFFC000  }
.Ltmp3:
0x90: {  	s23 =	sor.u32 $0x1C03, s30;
	[bflag:$0x0] =	sbarrier.arrive $0xFFFF;
	(pc) =	sbr.rel @p0 .LBB2_1-.Ltmp3, $4  }
0x91: {  	[hbm:s21], [sflag:s23] =	dma.local [spmem:s31], $0x2800  }
0x92: {  	_ =	swait.ge [sflag:s11], $0x2800  }
0x93: {  	[sflag:s11] =	ssyncset.done $0x0  }
0x94: {  	[sflag:s11] =	ssyncadd.s32 $0xFFFFD800  }
0x95: {  	_ =	sfence.sel $0x180000  }
0x96: {  	[bflag:$0x0] =	sbarrier.arrive $0xFFFF  }
0x97: {  	p0 =	sne.s32 s4, $0x0;
	_ =	strace $0x9000004D  }
0x98: {  	s0 =	sadd.s32 @!p0 $0x100000, s0;
	[bflag:$0x2] =	sbarrier.arrive $0xFFFF  }
0x99: {  	[sflag:s0] =	ssyncadd.tile.s32 @!p0 $0x1;
	_ =	shalt  }
.Lfunc_end2:
_tile_overlayer_lowered:
.L_overlay_start_2:
0x9a: {  	(tag) =	ssettag $0x2  }
0x9b: {  	s0 =	rddreg [dreg:$0x0];
	s2 =	stileid.u32  }
0x9c: {  	s1 =	rddreg [dreg:$0x1];
	p0 =	sne.s32 s2, $0x0  }
0x9d: {  	s3 =	rddreg [dreg:$0x2];
	[bflag:$0x3] =	sbarrier.arrive $0xFFFF;
	s2 =	simm.s32 @!p0 $0x1C03  }
0x9e: {  	[timem:s3], [sflag:s2] =	dma.local @!p0 [hbm:s0], s1  }
0x9f: {  	s0 =	simm.s32 @!p0 $0x3  }
0xa0: {  	_ =	swait.ge @!p0 [sflag:s0], s1  }
0xa1: {  	s1 =	ssub.s32 @!p0 $0x0, s1;
	[sflag:s0] =	ssyncset.done @!p0 $0x0  }
0xa2: {  	[sflag:s0] =	ssyncadd.s32 @!p0 s1  }
0xa3: {  	[bflag:$0x3] =	sbarrier.arrive $0xFFFF  }
0xa4: {  	_ =	shalt  }

// kernel: _run.9.cloned.1.call-start
scs
__scs_entry_jumppad:
0x0: {  	(pc) =	sbr.rel $0x88, $3  }
0x1: {  	(tag) =	ssettag $0x0;
	lr =	simm.s32 $0x1  }
0x2: {  	[smem:$0x3F9B] =	sst lr;
	_ =	strace $0xD0000000  }
0x3: {  	_ = 	snop  }
0x4: {  	_ = 	snop  }
0x5: {  	_ = 	snop  }
0x6: {  	_ = 	snop  }
0x7: {  	_ = 	snop  }
__scs_overlays_trampoline_lowered:
0x8: {  	[smem:$0x3FAA] =	sst s0  }
0x9: {  	[smem:$0x3FAB] =	sst s1  }
0xa: {  	[smem:$0x3FAC] =	sst s2  }
0xb: {  	[smem:$0x3FAD] =	sst s3  }
0xc: {  	[smem:$0x3FAE] =	sst s4  }
0xd: {  	[smem:$0x3FAF] =	sst s5  }
0xe: {  	[smem:$0x3FB0] =	sst s6  }
0xf: {  	[smem:$0x3FB1] =	sst s7  }
0x10: {  	[smem:$0x3FB2] =	sst s8  }
0x11: {  	[smem:$0x3FB3] =	sst s9;
	s0 =	simm.s32 @!p0 $0x0  }
0x12: {  	s1 =	sld [smem:$0x3F99];
	s0 =	simm.s32 @p0 $0x1  }
0x13: {  	[smem:$0x3FB4] =	sst s0;
	s0 =	simm.s32 @!p1 $0x0  }
0x14: {  	s2 =	sld [smem:$0x3F98];
	s0 =	simm.s32 @p1 $0x1  }
0x15: {  	[smem:$0x3FB5] =	sst s0;
	s0 =	simm.s32 @!p2 $0x0  }
0x16: {  	s3 =	sld [smem:$0x3FDB];
	s0 =	simm.s32 @p2 $0x1  }
0x17: {  	s4 =	simm.s32 $0x1BF5;
	[smem:$0x3FB7] =	sst s0  }
0x18: {  	s0 =	sld [smem:$0x3F9A];
	_ =	swait.ge [sflag:s4], $0x0  }
0x19: {  	s7 =	sld [smem:$0x3F9B]  }
0x1a: {  	s8 =	sadd.s32 $0xFFFFE003, lr  }
0x1b: {  	s9 =	sadd.s32 $0xFFFFFEF7, lr;
	s5 =	simm.s32 $0xFFFFFFFF;
	p2 =	slt.u32 s8, $0xFFFFF086  }
0x1c: {  	p1 =	slt.u32 s9, $0xF7A;
	s5 =	simm.s32 @!p2 $0x0  }
0x1d: {  	s5 =	simm.s32 @p1 $0x1;
	p0 =	seq.s32 s7, s2  }
0x1e: {  	s7 =	smul.u32 @!p0 $0xF7A, s2;
	p2 =	seq.s32 @!p0 s5, $0x0  }
0x1f: {  	s9 =	smul.u32 $0xF7A, s1;
	s8 =	simm.s32 @!p0 $0x1BF5;
	p2 =	por !p2, p0  }
0x20: {  	[sflag:s8] =	ssyncset.s32 @!p0 $0xFFFFF086;
	s6 =	sadd.s32 @!p0 s3, s7;
	s7 =	simm.s32 @!p0 $0x108  }
0x21: {  	s3 =	sadd.s32 s3, s9;
	s6 =	sadd.s32 @!p0 $0x88, s6;
	s7 =	simm.s32 @p2 $0x1082  }
0x22: {  	[simem:s7], [sflag:s8] =	dma.local @!p0 [hbm:s6], $0xF7A  }
0x23: {  	s9 =	sor.u32 $0xD0000000, s2;
	s6 =	simm.s32 $0x108;
	_ =	swait.ge @!p0 [sflag:s8], $0x0  }
0x24: {  	s3 =	sadd.s32 $0x88, s3;
	s6 =	simm.s32 @!p1 $0x1082;
	[sflag:s4] =	ssyncset.s32 $0xFFFFF086  }
0x25: {  	[simem:s6], [sflag:s4] =	dma.local [hbm:s3], $0xF7A  }
0x26: {  	[smem:$0x3F9B] =	sst s1;
	(tag) =	ssettag s2;
	_ =	strace s9  }
0x27: {  	s1 =	sld [smem:$0x3FAB]  }
0x28: {  	s2 =	sld [smem:$0x3FAC]  }
0x29: {  	s4 =	sld [smem:$0x3FAE]  }
0x2a: {  	p0 =	seq.s32 s5, $0x0;
	s5 =	sld [smem:$0x3FAF]  }
0x2b: {  	s6 =	sld [smem:$0x3FB0]  }
0x2c: {  	s7 =	sld [smem:$0x3FB1]  }
0x2d: {  	s3 =	simm.s32 $0x108;
	s8 =	sld [smem:$0x3FB2]  }
0x2e: {  	s3 =	simm.s32 @!p0 $0x1082;
	s9 =	sld [smem:$0x3FB3]  }
0x2f: {  	lr =	sadd.s32 s0, s3;
	s0 =	sld [smem:$0x3FAA]  }
0x30: {  	s3 =	sld [smem:$0x3FAD]  }
0x31: {  	[smem:$0x3FB6] =	sst s10  }
0x32: {  	s10 =	sld [smem:$0x3FB4];
	_ =	sdelay $0x3  }
0x33: {  	p0 =	seq.s32 s10, $0x1;
	s10 =	sld [smem:$0x3FB6];
	_ =	sdelay $0x3  }
0x34: {  	[smem:$0x3FB6] =	sst s10  }
0x35: {  	s10 =	sld [smem:$0x3FB5];
	_ =	sdelay $0x3  }
0x36: {  	p1 =	seq.s32 s10, $0x1;
	s10 =	sld [smem:$0x3FB6];
	_ =	sdelay $0x3  }
0x37: {  	[smem:$0x3FB6] =	sst s10  }
0x38: {  	s10 =	sld [smem:$0x3FB7]  }
0x39: {  	_ = 	snop;
	(pc) =	sbr.ind lr, $3  }
0x3a: {  	_ = 	snop  }
0x3b: {  	_ = 	snop  }
0x3c: {  	p2 =	seq.s32 s10, $0x1;
	s10 =	sld [smem:$0x3FB6]  }
0x3d: {  	_ =	shalt  }
0x3e: {  	_ =	shalt  }
0x3f: {  	_ =	shalt  }
0x40: {  	_ =	shalt  }
0x41: {  	_ =	shalt  }
0x42: {  	_ =	shalt  }
0x43: {  	_ =	shalt  }
0x44: {  	_ =	shalt  }
0x45: {  	_ =	shalt  }
0x46: {  	_ =	shalt  }
0x47: {  	_ =	shalt  }
0x48: {  	_ =	shalt  }
0x49: {  	_ =	shalt  }
0x4a: {  	_ =	shalt  }
0x4b: {  	_ =	shalt  }
0x4c: {  	_ =	shalt  }
0x4d: {  	_ =	shalt  }
0x4e: {  	_ =	shalt  }
0x4f: {  	_ =	shalt  }
0x50: {  	_ =	shalt  }
0x51: {  	_ =	shalt  }
0x52: {  	_ =	shalt  }
0x53: {  	_ =	shalt  }
0x54: {  	_ =	shalt  }
0x55: {  	_ =	shalt  }
0x56: {  	_ =	shalt  }
0x57: {  	_ =	shalt  }
0x58: {  	_ =	shalt  }
0x59: {  	_ =	shalt  }
0x5a: {  	_ =	shalt  }
0x5b: {  	_ =	shalt  }
0x5c: {  	_ =	shalt  }
0x5d: {  	_ =	shalt  }
0x5e: {  	_ =	shalt  }
0x5f: {  	_ =	shalt  }
0x60: {  	_ =	shalt  }
0x61: {  	_ =	shalt  }
0x62: {  	_ =	shalt  }
0x63: {  	_ =	shalt  }
0x64: {  	_ =	shalt  }
0x65: {  	_ =	shalt  }
0x66: {  	_ =	shalt  }
0x67: {  	_ =	shalt  }
0x68: {  	_ =	shalt  }
0x69: {  	_ =	shalt  }
0x6a: {  	_ =	shalt  }
0x6b: {  	_ =	shalt  }
0x6c: {  	_ =	shalt  }
0x6d: {  	_ =	shalt  }
0x6e: {  	_ =	shalt  }
0x6f: {  	_ =	shalt  }
0x70: {  	_ =	shalt  }
0x71: {  	_ =	shalt  }
0x72: {  	_ =	shalt  }
0x73: {  	_ =	shalt  }
0x74: {  	_ =	shalt  }
0x75: {  	_ =	shalt  }
0x76: {  	_ =	shalt  }
0x77: {  	_ =	shalt  }
0x78: {  	_ =	shalt  }
0x79: {  	_ =	shalt  }
0x7a: {  	_ =	shalt  }
0x7b: {  	_ =	shalt  }
0x7c: {  	_ =	shalt  }
0x7d: {  	_ =	shalt  }
0x7e: {  	_ =	shalt  }
0x7f: {  	_ =	shalt  }
0x80: {  	_ =	shalt  }
0x81: {  	_ =	shalt  }
0x82: {  	_ =	shalt  }
0x83: {  	_ =	shalt  }
0x84: {  	_ =	shalt  }
0x85: {  	_ =	shalt  }
0x86: {  	_ =	shalt  }
0x87: {  	_ =	shalt  }
.Lfunc_end0:
.L_simem_size_0:
called_computation_lowered:
.L_overlay_start_0:
0x88: {  	s2 =	sld [smem:$0x3FD9]  }
0x89: {  	s3 =	sld [smem:$0x3FFE];
	_ =	sdelay $0x1  }
0x8a: {  	s1 =	srdreg.scid  }
0x8b: {  	s0 =	sand.u32 $0x1, s1  }
0x8c: {  	s16 =	sshll.u32 s0, $0xA;
	s2 =	sadd.s32 s3, s2  }
0x8d: {  	s2 =	sadd.s32 s2, s16  }
0x8e: {  	[smem:$0x3FC2] =	sst s2  }
0x8f: {  	_ = 	snop  }
0x90: {  	(tm) =	ssettm $0x1  }
0x91: {  	s17 =	sld [smem:$0x3FFB];
	_ =	sdelay $0x3  }
0x92: {  	_ =	strace s17  }
0x93: {  	s2 =	sld [smem:$0x3FFC];
	_ =	sdelay $0x3  }
0x94: {  	_ =	strace s2  }
0x95: {  	s2 =	sld [smem:$0x3FFD];
	_ =	sdelay $0x3  }
0x96: {  	_ =	strace s2  }
0x97: {  	_ =	strace $0x8FFFFFFF  }
0x98: {  	s18 =	sld [smem:$0x3FDB];
	_ =	sdelay $0x1  }
0x99: {  	s19 =	simm.s32 $_scs_section_size  }
0x9a: {  	s4 =	simm.s32 $_size__tile_overlayer_lowered;
	s5 =	simm.s32 $_tile_overlayer_lowered  }
0x9b: {  	s22 =	simm.s32 $0x1BFF;
	s21 =	sshll.u32 s5, $0x1;
	s2 =	sadd.s32 s19, s18  }
0x9c: {  	s6 =	simm.s32 $0x0;
	s20 =	sshll.u32 s4, $0x1;
	s4 =	sadd.s32 s21, s2  }
0x9d: {  	[timem:s6], [sflag:s22] =	dma.local [hbm:s4], s20  }
0x9e: {  	_ =	swait.ge [sflag:s22], s20  }
0x9f: {  	s3 =	ssub.s32 $0x0, s20;
	[sflag:s22] =	ssyncset.done $0x0  }
0xa0: {  	[sflag:s22] =	ssyncadd.s32 s3;
	_ =	sdelay $0x1  }
0xa1: {  	s23 =	simm.s32 $0x1B8B  }
0xa2: {  	_ =	swait.ge [sflag:s23], $0x1  }
0xa3: {  	[sflag:s23] =	ssyncset.done $0x0  }
0xa4: {  	s25 =	simm.s32 $0x1B8E;
	s24 =	sld [smem:$0x3FFE];
	[sflag:s23] =	ssyncadd.s32 $0xFFFFFFFF  }
0xa5: {  	s26 =	simm.s32 $execute0_lowered;
	[smem:$0x3FD2] =	sst s25  }
0xa6: {  	s4 =	sshll.u32 s26, $0x1;
	_ =	strace $0x80000046;
	[dreg:$0x1] =	wrdreg $0xFFFFFFFF  }
0xa7: {  	s28 =	simm.s32 $_size_execute0_lowered;
	s2 =	sadd.s32 s2, s4;
	[dreg:$0x0] =	wrdreg $0x0  }
0xa8: {  	s4 =	sshll.u32 s28, $0x1;
	[dreg:$0x2] =	wrdreg s2  }
0xa9: {  	[dreg:$0x3] =	wrdreg s4  }
0xaa: {  	[dreg:$0x4] =	wrdreg $0xC0  }
0xab: {  	_ =	task [dreg:s6], $0x5FFFF  }
0xac: {  	[dreg:$0x1] =	wrdreg $0xFFFFFFFF  }
0xad: {  	[dreg:$0x0] =	wrdreg $0x60  }
0xae: {  	[dreg:$0x2] =	wrdreg s24  }
0xaf: {  	[dreg:$0x3] =	wrdreg $0x0  }
0xb0: {  	[dreg:$0x4] =	wrdreg $0x9  }
0xb1: {  	_ =	task.clear_ibuf [dreg:s6], $0x5FFFF;
	_ =	strace $0x90000046  }
0xb2: {  	s29 =	simm.s32 $0x9;
	_ =	strace $0x80000048  }
0xb3: {  	_ =	swait.ge [sflag:s29], $0x1  }
0xb4: {  	[sflag:s29] =	ssyncadd.s32 $0xFFFFFFFF  }
0xb5: {  	_ =	strace $0x90000048  }
0xb6: {  	_ =	sfence  }
0xb7: {  	s30 =	sld [smem:$0x0];
	_ =	sdelay $0x2  }
0xb8: {  	s31 =	sshll.u32 s1, $0xD;
	s1 =	sshrl.u32 s1, $0x2  }
0xb9: {  	s3 =	sand.u32 $0x4000, s31;
	s1 =	sadd.s32 s1, s30  }
0xba: {  	s0 =	sor.u32 s3, s0;
	s1 =	sshll.u32 s1, $0x11  }
0xbb: {  	s0 =	sor.u32 s1, s0  }
0xbc: {  	s0 =	sadd.s32 $0x8F2B, s0  }
0xbd: {  	[sflag:s0] =	ssyncadd.remote.s32 $0x1  }
0xbe: {  	_ =	sfence.sel $0xFFFF  }
0xbf: {  	[dreg:$0x0] =	wrdreg $0xFFFFFFFF;
	(pc) =	sbr.abs _section_cstart, $3  }
0xc0: {  	[dreg:$0x1] =	wrdreg $0xFFFFFFFF  }
0xc1: {  	_ =	task.clear_ibuf [dreg:s6], $0x2FFFF;
	_ =	strace $0x9FFFFFFF  }
0xc2: {  	(tm) =	ssettm $0x7FFFFFFF  }
0xc3: {  	_ =	shalt  }
tec
execute0_lowered:
.L_overlay_start_1:
0x0: {  	(tag) =	ssettag $0x1  }
0x1: {  	s6 =	rddreg [dreg:$0x0]  }
0x2: {  	s1 =	rddreg [dreg:$0x1]  }
0x3: {  	s0 =	rddreg [dreg:$0x2];
	s2 =	simm.s32 $0x0;
	s3 =	srdreg.scid  }
0x4: {  	s12 =	simm.s32 $0x1C900;
	s13 =	simm.s32 $0x80;
	s14 =	simm.s32 $0x14000  }
0x5: {  	s15 =	simm.s32 $0x1C880;
	s16 =	simm.s32 $0x1C980;
	s7 =	sand.u32 $0x1, s3  }
0x6: {  	s17 =	simm.s32 $0x18000;
	s3 =	stileid.u32;
	s8 =	smul.u32 $0x28000, s7  }
0x7: {  	s18 =	simm.s32 $0x1;
	s19 =	simm.s32 $0x2;
	s10 =	smul.u32 $0x50000, s3  }
0x8: {  	[smem:$0x7FF] =	sst s2;
	s4 =	sadd.s32 $0xCE00, s6;
	s11 =	smul.u32 $0x5000, s7  }
0x9: {  	s5 =	sadd.s32 $0x2E00, s6;
	s9 =	ssub.s32 $0x2, s7;
	s31 =	smul.u32 $0x500, s3  }
0xa: {  	_ =	strace $0x80000047;
	s21 =	smul.u32 $0x2800, s3;
	s28 =	sshrl.u32 s9, $0x1  }
0xb: {  	s8 =	sadd.s32 s8, s6;
	s29 =	ssub.s32 s9, s28;
	s30 =	sshrl.u32 s10, $0x2  }
0xc: {  	s9 =	simm.s32 $0x1C000;
	s10 =	simm.s32 $0x3;
	s6 =	sadd.s32 s30, s1  }
0xd: {  	s20 =	sadd.s32 $0x34E00, s8;
	s7 =	smax.u32 s29, $0x1;
	s8 =	sadd.s32 s31, s11  }
0xe: {  	v0 =	vimm.f32 $0.0e+00;
	s11 =	simm.s32 $0x1C800;
	s20 =	sadd.s32 s21, s20;
	s21 =	simm.s32 $0x0  }
.LBB2_1:
0xf: {  	s22 =	simm.s32 $0x0;
	s23 =	simm.s32 $0x200  }
.LBB2_2:
0x10: {  	p0 =	sne.s32 s23, $0x1E00;
	[tilespmem:s22+$0x1C070] =	vst v0  }
0x11: {  	[tilespmem:s22+$0x1C000] =	vst v0  }
0x12: {  	[tilespmem:s22+$0x1C010] =	vst v0  }
.Ltmp0:
0x13: {  	[tilespmem:s22+$0x1C020] =	vst v0;
	(pc) =	sbr.rel @p0 .LBB2_2-.Ltmp0, $4  }
0x14: {  	[tilespmem:s22+$0x1C030] =	vst v0  }
0x15: {  	[tilespmem:s22+$0x1C040] =	vst v0  }
0x16: {  	[tilespmem:s22+$0x1C050] =	vst v0  }
0x17: {  	[tilespmem:s22+$0x1C060] =	vst v0;
	s22 =	sshra.s32 s23, $0x2;
	s23 =	sadd.s32 $0x200, s23  }
0x18: {  	[tilespmem:s22+$0x1C070] =	vst v0  }
0x19: {  	[tilespmem:s22+$0x1C000] =	vst v0  }
0x1a: {  	[tilespmem:s22+$0x1C010] =	vst v0  }
0x1b: {  	[tilespmem:s22+$0x1C020] =	vst v0  }
0x1c: {  	[tilespmem:s22+$0x1C030] =	vst v0  }
0x1d: {  	[tilespmem:s22+$0x1C040] =	vst v0  }
0x1e: {  	[tilespmem:s22+$0x1C050] =	vst v0  }
0x1f: {  	[tilespmem:s22+$0x1C060] =	vst v0;
	s31 =	sadd.s32 $0x0, s6  }
0x20: {  	[spmem:s31] =	stream.linear.scatter [tilespmem:s9], [sflag:$0x3], $0x800, $0x38;
	[tilespmem:$0x1CA00] =	vst v63  }
0x21: {  	s22 =	simm.s32 $0x2000;
	_ =	swait.ge [sflag:s10], $0x800  }
.LBB2_4:
0x22: {  	s23 =	sshra.s32 s22, $0x2;
	[sflag:s10] =	ssyncset.done $0x0;
	p0 =	sne.s32 s22, $0x4E000  }
.Ltmp1:
0x23: {  	s23 =	sadd.s32 s23, s6;
	[sflag:s10] =	ssyncadd.s32 $0xFFFFF800;
	(pc) =	sbr.rel @p0 .LBB2_4-.Ltmp1, $3  }
0x24: {  	[spmem:s23] =	stream.linear.scatter [tilespmem:s9], [sflag:$0x3], $0x800, $0x38;
	[tilespmem:$0x1CA00] =	vst v63  }
0x25: {  	s22 =	sadd.s32 $0x2000, s22;
	_ =	sdelay $0x1  }
0x26: {  	_ =	swait.ge [sflag:s10], $0x800  }
0x27: {  	s22 =	simm.s32 $0x0  }
0x28: {  	[sflag:s10] =	ssyncset.done $0x0;
	s23 =	sadd.s32 $0x0, s8;
	s22 =	sand.u32 $0x60, s22  }
0x29: {  	[sflag:s10] =	ssyncadd.s32 $0xFFFFF800;
	s23 =	sand.u32 $0x1FF80, s23;
	s22 =	sadd.s32 s5, s22  }
0x2a: {  	[bflag:$0x0] =	sbarrier.arrive $0xFFFF;
	s22 =	sadd.s32 s23, s22  }
0x2b: {  	[tilespmem:s11], [sflag:$0x3] =	stream.linear.gather [hbm4b:s22+s2], $0x80, $0x38;
	[tilespmem:$0x1CA00] =	vst v63  }
0x2c: {  	_ =	swait.ge [sflag:s10], $0x80  }
0x2d: {  	[sflag:s10] =	ssyncset.done $0x0  }
0x2e: {  	[sflag:s10] =	ssyncadd.s32 $0xFFFFFF80  }
0x2f: {  	[tilespmem:s12], [sflag:$0x3] =	stream.linear.gather [hbm4b:s22+s2], $0x80, $0x38;
	[tilespmem:$0x1CA00] =	vst v63  }
0x30: {  	_ =	swait.ge [sflag:s10], $0x80  }
0x31: {  	[sflag:s10] =	ssyncset.done $0x0  }
0x32: {  	[sflag:s10] =	ssyncadd.s32 $0xFFFFFF80  }
0x33: {  	[tilespmem:s14], [sflag:$0x1] =	stream.indirect.gather [hbm4b:s4+s13], $0x80, s11, s13, $0xb8;
	[tilespmem:$0x1CA00] =	vst v63  }
0x34: {  	s22 =	sadd.s32 $0x10, s22  }
0x35: {  	[tilespmem:s15], [sflag:$0x3] =	stream.linear.gather [hbm4b:s22+s2], $0x80, $0x38;
	[tilespmem:$0x1CA00] =	vst v63  }
0x36: {  	_ =	swait.ge [sflag:s10], $0x80  }
0x37: {  	[sflag:s10] =	ssyncset.done $0x0  }
0x38: {  	[sflag:s10] =	ssyncadd.s32 $0xFFFFFF80  }
0x39: {  	[tilespmem:s16], [sflag:$0x3] =	stream.linear.gather [hbm4b:s22+s2], $0x80, $0x38;
	[tilespmem:$0x1CA00] =	vst v63  }
0x3a: {  	_ =	swait.ge [sflag:s10], $0x80  }
0x3b: {  	[sflag:s10] =	ssyncset.done $0x0  }
0x3c: {  	[sflag:s10] =	ssyncadd.s32 $0xFFFFFF80  }
0x3d: {  	[tilespmem:s17], [sflag:$0x2] =	stream.indirect.gather [hbm4b:s4+s13], $0x80, s15, s13, $0xb8;
	[tilespmem:$0x1CA00] =	vst v63  }
0x3e: {  	_ =	swait.ge [sflag:s18], $0x4000  }
0x3f: {  	[sflag:s18] =	ssyncset.done $0x0  }
0x40: {  	[sflag:s18] =	ssyncadd.s32 $0xFFFFC000  }
0x41: {  	[spmem:s1] =	stream.indirect.scatter.add.f32 [tilespmem:s14], [sflag:$0x3], $0x80, s12, s13, $0xb8;
	[tilespmem:$0x1CA00] =	vst v63  }
0x42: {  	_ =	swait.ge [sflag:s10], $0x4000  }
0x43: {  	[sflag:s10] =	ssyncset.done $0x0  }
0x44: {  	[sflag:s10] =	ssyncadd.s32 $0xFFFFC000  }
0x45: {  	_ =	swait.ge [sflag:s19], $0x4000  }
0x46: {  	[sflag:s19] =	ssyncset.done $0x0  }
0x47: {  	s30 =	simm.s32 $0x20;
	s24 =	simm.s32 $0x40;
	[sflag:s19] =	ssyncadd.s32 $0xFFFFC000  }
0x48: {  	[spmem:s1] =	stream.indirect.scatter.add.f32 [tilespmem:s17], [sflag:$0x3], $0x80, s16, s13, $0xb8;
	[tilespmem:$0x1CA00] =	vst v63  }
0x49: {  	s31 =	sadd.s32 $0x20, s8;
	s22 =	sand.u32 $0x60, s30;
	_ =	swait.ge [sflag:s10], $0x4000  }
0x4a: {  	s23 =	sand.u32 $0x1FF80, s31;
	s25 =	sadd.s32 s5, s22;
	[sflag:s10] =	ssyncset.done $0x0  }
.LBB2_6:
0x4b: {  	s25 =	sadd.s32 s23, s25  }
0x4c: {  	[sflag:s10] =	ssyncadd.s32 $0xFFFFC000;
	s23 =	smov.u32 s24;
	s22 =	sadd.s32 $0x20, s24  }
0x4d: {  	[tilespmem:s11], [sflag:$0x3] =	stream.linear.gather [hbm4b:s25+s2], $0x80, $0x38;
	[tilespmem:$0x1CA00] =	vst v63  }
0x4e: {  	p0 =	sne.s32 s24, $0x4E0;
	_ =	swait.ge [sflag:s10], $0x80  }
0x4f: {  	[sflag:s10] =	ssyncset.done $0x0  }
0x50: {  	[sflag:s10] =	ssyncadd.s32 $0xFFFFFF80  }
0x51: {  	[tilespmem:s12], [sflag:$0x3] =	stream.linear.gather [hbm4b:s25+s2], $0x80, $0x38;
	[tilespmem:$0x1CA00] =	vst v63  }
0x52: {  	_ =	swait.ge [sflag:s10], $0x80  }
0x53: {  	[sflag:s10] =	ssyncset.done $0x0  }
0x54: {  	[sflag:s10] =	ssyncadd.s32 $0xFFFFFF80  }
0x55: {  	[tilespmem:s14], [sflag:$0x1] =	stream.indirect.gather [hbm4b:s4+s13], $0x80, s11, s13, $0xb8;
	[tilespmem:$0x1CA00] =	vst v63  }
0x56: {  	s24 =	sadd.s32 $0x10, s25  }
0x57: {  	[tilespmem:s15], [sflag:$0x3] =	stream.linear.gather [hbm4b:s24+s2], $0x80, $0x38;
	[tilespmem:$0x1CA00] =	vst v63  }
0x58: {  	_ =	swait.ge [sflag:s10], $0x80  }
0x59: {  	[sflag:s10] =	ssyncset.done $0x0  }
0x5a: {  	[sflag:s10] =	ssyncadd.s32 $0xFFFFFF80  }
0x5b: {  	[tilespmem:s16], [sflag:$0x3] =	stream.linear.gather [hbm4b:s24+s2], $0x80, $0x38;
	[tilespmem:$0x1CA00] =	vst v63  }
0x5c: {  	_ =	swait.ge [sflag:s10], $0x80  }
0x5d: {  	[sflag:s10] =	ssyncset.done $0x0  }
0x5e: {  	[sflag:s10] =	ssyncadd.s32 $0xFFFFFF80  }
0x5f: {  	[tilespmem:s17], [sflag:$0x2] =	stream.indirect.gather [hbm4b:s4+s13], $0x80, s15, s13, $0xb8;
	[tilespmem:$0x1CA00] =	vst v63  }
0x60: {  	_ =	swait.ge [sflag:s18], $0x4000  }
0x61: {  	[sflag:s18] =	ssyncset.done $0x0  }
0x62: {  	[sflag:s18] =	ssyncadd.s32 $0xFFFFC000  }
0x63: {  	[spmem:s1] =	stream.indirect.scatter.add.f32 [tilespmem:s14], [sflag:$0x3], $0x80, s12, s13, $0xb8;
	[tilespmem:$0x1CA00] =	vst v63  }
0x64: {  	_ =	swait.ge [sflag:s10], $0x4000  }
0x65: {  	[sflag:s10] =	ssyncset.done $0x0  }
0x66: {  	[sflag:s10] =	ssyncadd.s32 $0xFFFFC000  }
0x67: {  	_ =	swait.ge [sflag:s19], $0x4000  }
.Ltmp2:
0x68: {  	[sflag:s19] =	ssyncset.done $0x0;
	(pc) =	sbr.rel @p0 .LBB2_6-.Ltmp2, $4  }
0x69: {  	s25 =	sand.u32 $0x60, s23;
	[sflag:s19] =	ssyncadd.s32 $0xFFFFC000  }
0x6a: {  	[spmem:s1] =	stream.indirect.scatter.add.f32 [tilespmem:s17], [sflag:$0x3], $0x80, s16, s13, $0xb8;
	[tilespmem:$0x1CA00] =	vst v63  }
0x6b: {  	s25 =	sadd.s32 s5, s25;
	s24 =	sadd.s32 s23, s8;
	_ =	swait.ge [sflag:s10], $0x4000  }
0x6c: {  	s23 =	sand.u32 $0x1FF80, s24;
	s24 =	smov.u32 s22;
	[sflag:s10] =	ssyncset.done $0x0  }
0x6d: {  	s22 =	sadd.s32 s23, s25;
	[sflag:s10] =	ssyncadd.s32 $0xFFFFC000  }
0x6e: {  	[tilespmem:s11], [sflag:$0x3] =	stream.linear.gather [hbm4b:s22+s2], $0x80, $0x38;
	[tilespmem:$0x1CA00] =	vst v63  }
0x6f: {  	_ =	swait.ge [sflag:s10], $0x80  }
0x70: {  	[sflag:s10] =	ssyncset.done $0x0  }
0x71: {  	[sflag:s10] =	ssyncadd.s32 $0xFFFFFF80  }
0x72: {  	[tilespmem:s12], [sflag:$0x3] =	stream.linear.gather [hbm4b:s22+s2], $0x80, $0x38;
	[tilespmem:$0x1CA00] =	vst v63  }
0x73: {  	_ =	swait.ge [sflag:s10], $0x80  }
0x74: {  	[sflag:s10] =	ssyncset.done $0x0  }
0x75: {  	[sflag:s10] =	ssyncadd.s32 $0xFFFFFF80  }
0x76: {  	[tilespmem:s14], [sflag:$0x1] =	stream.indirect.gather [hbm4b:s4+s13], $0x80, s11, s13, $0xb8;
	[tilespmem:$0x1CA00] =	vst v63  }
0x77: {  	s22 =	sadd.s32 $0x10, s22  }
0x78: {  	[tilespmem:s15], [sflag:$0x3] =	stream.linear.gather [hbm4b:s22+s2], $0x80, $0x38;
	[tilespmem:$0x1CA00] =	vst v63  }
0x79: {  	_ =	swait.ge [sflag:s10], $0x80  }
0x7a: {  	[sflag:s10] =	ssyncset.done $0x0  }
0x7b: {  	[sflag:s10] =	ssyncadd.s32 $0xFFFFFF80  }
0x7c: {  	[tilespmem:s16], [sflag:$0x3] =	stream.linear.gather [hbm4b:s22+s2], $0x80, $0x38;
	[tilespmem:$0x1CA00] =	vst v63  }
0x7d: {  	_ =	swait.ge [sflag:s10], $0x80  }
0x7e: {  	[sflag:s10] =	ssyncset.done $0x0  }
0x7f: {  	[sflag:s10] =	ssyncadd.s32 $0xFFFFFF80  }
0x80: {  	[tilespmem:s17], [sflag:$0x2] =	stream.indirect.gather [hbm4b:s4+s13], $0x80, s15, s13, $0xb8;
	[tilespmem:$0x1CA00] =	vst v63  }
0x81: {  	_ =	swait.ge [sflag:s18], $0x4000  }
0x82: {  	[sflag:s18] =	ssyncset.done $0x0  }
0x83: {  	[sflag:s18] =	ssyncadd.s32 $0xFFFFC000  }
0x84: {  	[spmem:s1] =	stream.indirect.scatter.add.f32 [tilespmem:s14], [sflag:$0x3], $0x80, s12, s13, $0xb8;
	[tilespmem:$0x1CA00] =	vst v63  }
0x85: {  	_ =	swait.ge [sflag:s10], $0x4000  }
0x86: {  	[sflag:s10] =	ssyncset.done $0x0  }
0x87: {  	[sflag:s10] =	ssyncadd.s32 $0xFFFFC000  }
0x88: {  	_ =	swait.ge [sflag:s19], $0x4000  }
0x89: {  	[sflag:s19] =	ssyncset.done $0x0  }
0x8a: {  	[sflag:s19] =	ssyncadd.s32 $0xFFFFC000  }
0x8b: {  	[spmem:s1] =	stream.indirect.scatter.add.f32 [tilespmem:s17], [sflag:$0x3], $0x80, s16, s13, $0xb8;
	[tilespmem:$0x1CA00] =	vst v63  }
0x8c: {  	_ =	swait.ge [sflag:s10], $0x4000  }
0x8d: {  	s30 =	sshll.u32 s3, $0x6;
	s21 =	sadd.s32 $0x1, s21;
	[sflag:s10] =	ssyncset.done $0x0  }
0x8e: {  	s31 =	sshrl.u32 s6, $0x3;
	p0 =	sne.s32 s21, s7;
	[sflag:s10] =	ssyncadd.s32 $0xFFFFC000  }
.Ltmp3:
0x8f: {  	s22 =	sor.u32 $0x1C03, s30;
	[bflag:$0x0] =	sbarrier.arrive $0xFFFF;
	(pc) =	sbr.rel @p0 .LBB2_1-.Ltmp3, $4  }
0x90: {  	[hbm:s20], [sflag:s22] =	dma.local [spmem:s31], $0x2800  }
0x91: {  	_ =	swait.ge [sflag:s10], $0x2800  }
0x92: {  	[sflag:s10] =	ssyncset.done $0x0  }
0x93: {  	[sflag:s10] =	ssyncadd.s32 $0xFFFFD800  }
0x94: {  	_ =	sfence.sel $0x180000  }
0x95: {  	[bflag:$0x0] =	sbarrier.arrive $0xFFFF  }
0x96: {  	p0 =	sne.s32 s3, $0x0;
	_ =	strace $0x90000047  }
0x97: {  	s0 =	sadd.s32 @!p0 $0x100000, s0;
	[bflag:$0x2] =	sbarrier.arrive $0xFFFF  }
0x98: {  	[sflag:s0] =	ssyncadd.tile.s32 @!p0 $0x1;
	_ =	shalt  }
.Lfunc_end2:
_tile_overlayer_lowered:
.L_overlay_start_2:
0x99: {  	(tag) =	ssettag $0x2  }
0x9a: {  	s0 =	rddreg [dreg:$0x0];
	s2 =	stileid.u32  }
0x9b: {  	s1 =	rddreg [dreg:$0x1];
	p0 =	sne.s32 s2, $0x0  }
0x9c: {  	s3 =	rddreg [dreg:$0x2];
	[bflag:$0x3] =	sbarrier.arrive $0xFFFF;
	s2 =	simm.s32 @!p0 $0x1C03  }
0x9d: {  	[timem:s3], [sflag:s2] =	dma.local @!p0 [hbm:s0], s1  }
0x9e: {  	s0 =	simm.s32 @!p0 $0x3  }
0x9f: {  	_ =	swait.ge @!p0 [sflag:s0], s1  }
0xa0: {  	s1 =	ssub.s32 @!p0 $0x0, s1;
	[sflag:s0] =	ssyncset.done @!p0 $0x0  }
0xa1: {  	[sflag:s0] =	ssyncadd.s32 @!p0 s1  }
0xa2: {  	[bflag:$0x3] =	sbarrier.arrive $0xFFFF  }
0xa3: {  	_ =	shalt  }

</sc_bundles>
